<compile_context>
chip_gen: v7x
topology: tpu7x:2x2x1
jax: 0.10.2.dev20260603
libtpu: 0.0.44.dev20260713+nightly
codegen_flags: <defaults>
</compile_context>

<pallas_src>
import functools

import jax
import jax.numpy as jnp
from jax import lax
from jax.experimental import pallas as pl
from jax.experimental.pallas import tpu as pltpu
from jax.experimental.pallas import tpu_sc as plsc

N = 10000
D = 128
E = 320000

NC = 2
NS = 16
NW = NC * NS

WIN = 64
SB = 8
NSB = 20
WPT = SB * NSB
SLOTS = WPT * WIN
E_PAD = SLOTS * NW
NP = 10240
RPT = NP // NS

_mesh = plsc.VectorSubcoreMesh(core_axis_name="c", subcore_axis_name="s")


@functools.partial(
    pl.kernel,
    out_type=jax.ShapeDtypeStruct((NC, NP), jnp.float32),
    mesh=_mesh,
    scratch_types=[
        pltpu.VMEM((WPT, WIN), jnp.int32),
        pltpu.VMEM((WIN,), jnp.float32),
        pltpu.VMEM_SHARED((NP,), jnp.float32),
        pltpu.SemaphoreType.DMA,
    ],
)
def _deg_kernel(dstp_hbm, ones_hbm, zeros1_hbm, degp_hbm, dst_v, ones_v,
                deg_sh, sem):
    c = lax.axis_index("c")
    s = lax.axis_index("s")
    wid = s * NC + c
    pltpu.sync_copy(ones_hbm, ones_v)
    pltpu.sync_copy(zeros1_hbm.at[pl.ds(s * RPT, RPT)],
                    deg_sh.at[pl.ds(s * RPT, RPT)])
    pltpu.sync_copy(dstp_hbm.at[wid], dst_v)
    plsc.subcore_barrier()

    def fire(j, carry):
        pltpu.async_copy(ones_v, deg_sh.at[dst_v.at[j]], sem, add=True)
        return carry

    lax.fori_loop(0, WPT, fire, 0)

    def drain(j, carry):
        pltpu.make_async_copy(ones_v, deg_sh.at[dst_v.at[j]], sem).wait()
        return carry

    lax.fori_loop(0, WPT, drain, 0)
    plsc.subcore_barrier()
    pltpu.sync_copy(deg_sh.at[pl.ds(s * RPT, RPT)],
                    degp_hbm.at[c, pl.ds(s * RPT, RPT)])


@functools.partial(
    pl.kernel,
    out_type=jax.ShapeDtypeStruct((NC, NP, D), jnp.float32),
    mesh=_mesh,
    scratch_types=[
        pltpu.VMEM((SB, WIN), jnp.int32),
        pltpu.VMEM((SB, WIN), jnp.int32),
        pltpu.VMEM((SB, WIN), jnp.int32),
        pltpu.VMEM((SB, WIN), jnp.int32),
        pltpu.VMEM((WIN, D), jnp.float32),
        pltpu.VMEM((WIN, D), jnp.float32),
        pltpu.VMEM((WIN, D), jnp.float32),
        pltpu.VMEM((WIN, D), jnp.float32),
        pltpu.VMEM_SHARED((NP, D), jnp.float32),
        pltpu.SemaphoreType.DMA,
        pltpu.SemaphoreType.DMA,
        pltpu.SemaphoreType.DMA,
        pltpu.SemaphoreType.DMA,
        pltpu.SemaphoreType.DMA,
        pltpu.SemaphoreType.DMA,
        pltpu.SemaphoreType.DMA,
        pltpu.SemaphoreType.DMA,
    ],
)
def _edge_kernel(h2_hbm, srcp_hbm, dstp_hbm, zeros2_hbm, accp_hbm,
                 ssb_a, ssb_b, dsb_a, dsb_b,
                 rows_0, rows_1, rows_2, rows_3, acc_sh,
                 sem_r0, sem_r1, sem_r2, sem_r3,
                 sem_sa, sem_sb, sem_da, sem_db):
    c = lax.axis_index("c")
    s = lax.axis_index("s")
    wid = s * NC + c
    pltpu.sync_copy(zeros2_hbm.at[pl.ds(s * RPT, RPT)],
                    acc_sh.at[pl.ds(s * RPT, RPT)])
    plsc.subcore_barrier()

    NB = 4
    rows = (rows_0, rows_1, rows_2, rows_3)
    sem_r = (sem_r0, sem_r1, sem_r2, sem_r3)

    def start_rows(p, idx):
        pltpu.async_copy(h2_hbm.at[idx], rows[p], sem_r[p])

    def wait_rows(p, idx):
        pltpu.make_async_copy(h2_hbm.at[idx], rows[p], sem_r[p]).wait()

    pltpu.sync_copy(srcp_hbm.at[wid, pl.ds(0, SB)], ssb_a)
    pltpu.async_copy(srcp_hbm.at[wid, pl.ds(SB, SB)], ssb_b, sem_sb)
    pltpu.async_copy(dstp_hbm.at[wid, pl.ds(0, SB)], dsb_a, sem_da)
    pltpu.async_copy(dstp_hbm.at[wid, pl.ds(SB, SB)], dsb_b, sem_db)
    for w0 in range(4):
        start_rows(w0, ssb_a.at[w0])

    def body(t, carry):
        for mm_off, ssb, ossb, sem_s, osem_s, dsb, sem_d in (
                (0, ssb_a, ssb_b, sem_sa, sem_sb, dsb_a, sem_da),
                (1, ssb_b, ssb_a, sem_sb, sem_sa, dsb_b, sem_db)):
            m = 2 * t + mm_off
            pltpu.make_async_copy(
                dstp_hbm.at[wid, pl.ds(m * SB, SB)], dsb, sem_d).wait()
            for j in range(SB):
                w = m * SB + j
                p = j % NB
                wait_rows(p, ssb.at[j])
                pltpu.sync_copy(rows[p], acc_sh.at[dsb.at[j]], add=True)

                @pl.when(w + NB < WPT)
                def _():
                    if j == 4:
                        pltpu.make_async_copy(
                            srcp_hbm.at[wid, pl.ds((m + 1) * SB, SB)],
                            ossb, osem_s).wait()
                    if j < 4:
                        start_rows(p, ssb.at[j + 4])
                    else:
                        start_rows(p, ossb.at[j - 4])

            @pl.when(m + 2 < NSB)
            def _():
                pltpu.async_copy(
                    srcp_hbm.at[wid, pl.ds((m + 2) * SB, SB)], ssb, sem_s)
                pltpu.async_copy(
                    dstp_hbm.at[wid, pl.ds((m + 2) * SB, SB)], dsb, sem_d)

        return carry

    lax.fori_loop(0, NSB // 2, body, 0)
    plsc.subcore_barrier()
    pltpu.sync_copy(acc_sh.at[pl.ds(s * RPT, RPT)],
                    accp_hbm.at[c, pl.ds(s * RPT, RPT)])


def _h2_body(x_ref, w_ref, degp_ref, h2_ref):
    deg = degp_ref[0, :] + degp_ref[1, :] + 1.0
    dinv = lax.rsqrt(deg)
    h = jnp.dot(x_ref[...], w_ref[...], preferred_element_type=jnp.float32)
    h2_ref[...] = h * dinv[:, None]


def _out_body(accp_ref, h2_ref, degp_ref, b_ref, g_ref, beta_ref, o_ref):
    deg = degp_ref[0, :] + degp_ref[1, :] + 1.0
    dinv = lax.rsqrt(deg)
    pre = (accp_ref[0] + accp_ref[1] + h2_ref[...]) * dinv[:, None] + b_ref[...]
    mean = jnp.mean(pre, axis=1, keepdims=True)
    cent = pre - mean
    var = jnp.mean(cent * cent, axis=1, keepdims=True)
    o_ref[...] = jnp.maximum(
        g_ref[...] * cent * lax.rsqrt(var + 1e-5) + beta_ref[...], 0.0)


_BR = 1024
_GRID = -(-N // _BR)


def kernel(x, edge_index, W, b, ln_gamma, ln_beta):
    src = edge_index[0].astype(jnp.int32)
    dst = edge_index[1].astype(jnp.int32)
    npad = E_PAD - E
    ar = jnp.arange(npad, dtype=jnp.int32)
    srcp = jnp.concatenate([src, ar % N]).reshape(NW, WPT, WIN)
    dstp = jnp.concatenate([dst, N + ar % (NP - N)]).reshape(NW, WPT, WIN)
    zeros1 = jnp.zeros((NP,), jnp.float32)
    zeros2 = jnp.zeros((NP, D), jnp.float32)
    ones = jnp.ones((WIN,), jnp.float32)

    degp = _deg_kernel(dstp, ones, zeros1)

    h2 = pl.pallas_call(
        _h2_body,
        grid=(_GRID,),
        in_specs=[
            pl.BlockSpec((_BR, D), lambda i: (i, 0)),
            pl.BlockSpec((D, D), lambda i: (0, 0)),
            pl.BlockSpec((2, _BR), lambda i: (0, i)),
        ],
        out_specs=pl.BlockSpec((_BR, D), lambda i: (i, 0)),
        out_shape=jax.ShapeDtypeStruct((N, D), jnp.float32),
    )(x, W, degp)

    accp = _edge_kernel(h2, srcp, dstp, zeros2)

    out = pl.pallas_call(
        _out_body,
        grid=(_GRID,),
        in_specs=[
            pl.BlockSpec((2, _BR, D), lambda i: (0, i, 0)),
            pl.BlockSpec((_BR, D), lambda i: (i, 0)),
            pl.BlockSpec((2, _BR), lambda i: (0, i)),
            pl.BlockSpec((1, D), lambda i: (0, 0)),
            pl.BlockSpec((1, D), lambda i: (0, 0)),
            pl.BlockSpec((1, D), lambda i: (0, 0)),
        ],
        out_specs=pl.BlockSpec((_BR, D), lambda i: (i, 0)),
        out_shape=jax.ShapeDtypeStruct((N, D), jnp.float32),
    )(accp, h2, degp, b.reshape(1, D), ln_gamma.reshape(1, D),
      ln_beta.reshape(1, D))
    return out

# --- scband reference (transcript-rebuilt; emitter-appended) ---
"""Pipeline reference for scband-gcn-block-24730421690785 (READ-ONLY COPY).

The authoritative reference and input builder live on the scoring server;
editing this copy changes nothing except your own understanding.
"""

import jax, jax.numpy as jnp
import numpy as np

N_NODES = 10000
N_EDGES = 320000
IN_SIZE = 128
OUT_SIZE = 128

def setup_inputs(seed: int = 0) -> dict:
    key = jax.random.key(seed)
    k1, k2, k3, k4 = jax.random.split(key, 4)
    x = jax.random.normal(k1, (N_NODES, IN_SIZE), dtype=jnp.float32)
    edge_index = jax.random.randint(k2, (2, N_EDGES), 0, N_NODES, dtype=jnp.int64)
    # GCNConv linear weight (glorot) and bias
    limit = float(np.sqrt(6.0 / (IN_SIZE + OUT_SIZE)))
    W = jax.random.uniform(k3, (IN_SIZE, OUT_SIZE), dtype=jnp.float32, minval=-limit, maxval=limit)
    b = jnp.zeros((OUT_SIZE,), dtype=jnp.float32)
    # LayerNorm params
    ln_gamma = jnp.ones((OUT_SIZE,), dtype=jnp.float32)
    ln_beta = jnp.zeros((OUT_SIZE,), dtype=jnp.float32)
    return {"x": x, "edge_index": edge_index, "W": W, "b": b, "ln_gamma": ln_gamma, "ln_beta": ln_beta}

def reference(x, edge_index, W, b, ln_gamma, ln_beta):
    N = x.shape[0]
    # --- GCNConv (PyG semantics: add self-loops, symmetric normalization) ---
    loop = jnp.arange(N, dtype=edge_index.dtype)
    src = jnp.concatenate([edge_index[0], loop])
    dst = jnp.concatenate([edge_index[1], loop])
    # degree over destination nodes (edge weight = 1)
    deg = jnp.zeros((N,), dtype=jnp.float32).at[dst].add(1.0)
    deg_inv_sqrt = jnp.where(deg > 0, 1.0 / jnp.sqrt(deg), 0.0)
    norm = deg_inv_sqrt[src] * deg_inv_sqrt[dst]
    h = x @ W
    msg = h[src] * norm[:, None]
    out = jnp.zeros((N, W.shape[1]), dtype=jnp.float32).at[dst].add(msg)
    out = out + b
    # --- LayerNorm ---
    mean = jnp.mean(out, axis=-1, keepdims=True)
    var = jnp.var(out, axis=-1, keepdims=True)
    out = ln_gamma * (out - mean) / jnp.sqrt(var + 1e-5) + ln_beta
    # --- ReLU ---
    out = jax.nn.relu(out)
    return out

if __name__ == "__main__":
    import jax
    _d = setup_inputs()
    print(jax.jit(kernel)(*tuple(_d.values())))

</pallas_src>

<mosaic_0001>
#map = affine_map<(d0, d1) -> (0, 0, 0)>
#map1 = affine_map<(d0, d1) -> (0)>
#map2 = affine_map<(d0, d1) -> (0, 0)>
module attributes {stable_mosaic.version = 14 : i64} {
  func.func @_deg_kernel(%arg0: i32, %arg1: i32, %arg2: memref<32x160x64xi32, #tpu.memory_space<hbm>>, %arg3: memref<64xf32, #tpu.memory_space<hbm>>, %arg4: memref<10240xf32, #tpu.memory_space<hbm>>, %arg5: memref<2x10240xf32, #tpu.memory_space<hbm>>, %arg6: memref<160x64xi32, #tpu.memory_space<vmem>>, %arg7: memref<64xf32, #tpu.memory_space<vmem>>, %arg8: memref<10240xf32, #tpu.memory_space<vmem_shared>>, %arg9: memref<!tpu.dma_semaphore, #tpu.memory_space<semaphore_mem>>) attributes {dimension_semantics = [#tpu.dimension_semantics<core_parallel>, #tpu.dimension_semantics<subcore_parallel>], iteration_bounds = array<i64: 2, 16>, scalar_prefetch = 0 : i64, scratch_operands = 4 : i64, tpu.core_type = #tpu.core_type<sc_vector_subcore>, window_params = [{transform_indices = #map}, {transform_indices = #map1}, {transform_indices = #map1}, {transform_indices = #map2}]} {
    %mul3A = arith.constant 2 : i32
    %mul3A_0 = arith.muli %arg1, %mul3A : i32
    %add3A = arith.addi %mul3A_0, %arg0 : i32
    "tpu.region"() ({
      %run_scoped3A = tpu.sem_alloc : memref<!tpu.dma_semaphore, #tpu.memory_space<semaphore_mem>>
      tpu.enqueue_dma source(%arg3 : memref<64xf32, #tpu.memory_space<hbm>>) target(%arg7 : memref<64xf32, #tpu.memory_space<vmem>>) target_semaphore(%run_scoped3A : memref<!tpu.dma_semaphore, #tpu.memory_space<semaphore_mem>>)
      tpu.wait_dma2 semaphore(%run_scoped3A : memref<!tpu.dma_semaphore, #tpu.memory_space<semaphore_mem>>) src(%arg3 : memref<64xf32, #tpu.memory_space<hbm>>) dst(%arg7 : memref<64xf32, #tpu.memory_space<vmem>>)
      tpu.yield
    }) : () -> ()
    %mul3A_1 = arith.constant 640 : i32
    %mul3A_2 = arith.muli %arg1, %mul3A_1 : i32
    %mul3A_3 = arith.constant 640 : i32
    %mul3A_4 = arith.muli %arg1, %mul3A_3 : i32
    "tpu.region"() ({
      %run_scoped3A = tpu.sem_alloc : memref<!tpu.dma_semaphore, #tpu.memory_space<semaphore_mem>>
      %dma_start3A = tpu.memref_slice %arg8[%mul3A_4] : memref<10240xf32, #tpu.memory_space<vmem_shared>> -> memref<640xf32, #tpu.memory_space<vmem_shared>>
      %dma_start3A_21 = tpu.memref_slice %arg4[%mul3A_2] : memref<10240xf32, #tpu.memory_space<hbm>> -> memref<640xf32, #tpu.memory_space<hbm>>
      tpu.enqueue_dma source(%dma_start3A_21 : memref<640xf32, #tpu.memory_space<hbm>>) target(%dma_start3A : memref<640xf32, #tpu.memory_space<vmem_shared>>) target_semaphore(%run_scoped3A : memref<!tpu.dma_semaphore, #tpu.memory_space<semaphore_mem>>)
      %dma_wait3A = tpu.memref_slice %arg8[%mul3A_4] : memref<10240xf32, #tpu.memory_space<vmem_shared>> -> memref<640xf32, #tpu.memory_space<vmem_shared>>
      %dma_wait3A_22 = tpu.memref_slice %arg4[%mul3A_2] : memref<10240xf32, #tpu.memory_space<hbm>> -> memref<640xf32, #tpu.memory_space<hbm>>
      tpu.wait_dma2 semaphore(%run_scoped3A : memref<!tpu.dma_semaphore, #tpu.memory_space<semaphore_mem>>) src(%dma_wait3A_22 : memref<640xf32, #tpu.memory_space<hbm>>) dst(%dma_wait3A : memref<640xf32, #tpu.memory_space<vmem_shared>>)
      tpu.yield
    }) : () -> ()
    "tpu.region"() ({
      %run_scoped3A = tpu.sem_alloc : memref<!tpu.dma_semaphore, #tpu.memory_space<semaphore_mem>>
      %dma_start3A = arith.constant 0 : i32
      %dma_start3A_21 = arith.constant 0 : i32
      %dma_start3A_22 = tpu.memref_slice %arg2[%add3A, %dma_start3A, %dma_start3A_21] : memref<32x160x64xi32, #tpu.memory_space<hbm>> -> memref<1x160x64xi32, #tpu.memory_space<hbm>>
      %dma_start3A_23 = tpu.memref_squeeze %dma_start3A_22 : memref<1x160x64xi32, #tpu.memory_space<hbm>> -> memref<160x64xi32, #tpu.memory_space<hbm>>
      %dma_start3A_24 = arith.constant 0 : i32
      %dma_start3A_25 = arith.constant 0 : i32
      %dma_start3A_26 = tpu.memref_slice %arg2[%add3A, %dma_start3A_24, %dma_start3A_25] : memref<32x160x64xi32, #tpu.memory_space<hbm>> -> memref<1x160x64xi32, #tpu.memory_space<hbm>>
      %dma_start3A_27 = tpu.memref_squeeze %dma_start3A_26 : memref<1x160x64xi32, #tpu.memory_space<hbm>> -> memref<160x64xi32, #tpu.memory_space<hbm>>
      tpu.enqueue_dma source(%dma_start3A_27 : memref<160x64xi32, #tpu.memory_space<hbm>>) target(%arg6 : memref<160x64xi32, #tpu.memory_space<vmem>>) target_semaphore(%run_scoped3A : memref<!tpu.dma_semaphore, #tpu.memory_space<semaphore_mem>>)
      %dma_wait3A = arith.constant 0 : i32
      %dma_wait3A_28 = arith.constant 0 : i32
      %dma_wait3A_29 = tpu.memref_slice %arg2[%add3A, %dma_wait3A, %dma_wait3A_28] : memref<32x160x64xi32, #tpu.memory_space<hbm>> -> memref<1x160x64xi32, #tpu.memory_space<hbm>>
      %dma_wait3A_30 = tpu.memref_squeeze %dma_wait3A_29 : memref<1x160x64xi32, #tpu.memory_space<hbm>> -> memref<160x64xi32, #tpu.memory_space<hbm>>
      %dma_wait3A_31 = arith.constant 0 : i32
      %dma_wait3A_32 = arith.constant 0 : i32
      %dma_wait3A_33 = tpu.memref_slice %arg2[%add3A, %dma_wait3A_31, %dma_wait3A_32] : memref<32x160x64xi32, #tpu.memory_space<hbm>> -> memref<1x160x64xi32, #tpu.memory_space<hbm>>
      %dma_wait3A_34 = tpu.memref_squeeze %dma_wait3A_33 : memref<1x160x64xi32, #tpu.memory_space<hbm>> -> memref<160x64xi32, #tpu.memory_space<hbm>>
      tpu.wait_dma2 semaphore(%run_scoped3A : memref<!tpu.dma_semaphore, #tpu.memory_space<semaphore_mem>>) src(%dma_wait3A_34 : memref<160x64xi32, #tpu.memory_space<hbm>>) dst(%arg6 : memref<160x64xi32, #tpu.memory_space<vmem>>)
      tpu.yield
    }) : () -> ()
    %barrier3A = arith.constant 0 : index
    tpu.barrier barrier_id(%barrier3A)
    %scan3A = arith.constant 0 : i32
    %scan3A_5 = arith.constant 0 : i32
    %scan3A_6 = arith.constant 160 : i32
    %scan3A_7 = arith.addi %scan3A_5, %scan3A_6 : i32
    %scan3A_8 = arith.constant 1 : i32
    scf.for %scan3A_21 = %scan3A_5 to %scan3A_7 step %scan3A_8  : i32 {
      %dma_start3A = arith.constant 0 : i32
      %dma_start3A_22 = tpu.memref_slice %arg6[%scan3A_21, %dma_start3A] : memref<160x64xi32, #tpu.memory_space<vmem>> -> memref<1x64xi32, #tpu.memory_space<vmem>>
      %dma_start3A_23 = tpu.memref_squeeze %dma_start3A_22 : memref<1x64xi32, #tpu.memory_space<vmem>> -> memref<64xi32, #tpu.memory_space<vmem>>
      %dma_start3A_24 = arith.constant 0 : i32
      %dma_start3A_25 = tpu.memref_slice %arg8[%dma_start3A_24] : memref<10240xf32, #tpu.memory_space<vmem_shared>> -> memref<10240xf32, #tpu.memory_space<vmem_shared>>
      tpu.enqueue_indirect_dma source(%arg7 : memref<64xf32, #tpu.memory_space<vmem>>) target(%dma_start3A_25 : memref<10240xf32, #tpu.memory_space<vmem_shared>>) offsets(%dma_start3A_23 : memref<64xi32, #tpu.memory_space<vmem>>) semaphore(%arg9 : memref<!tpu.dma_semaphore, #tpu.memory_space<semaphore_mem>>) {add = true}
    }
    %scan3A_9 = arith.constant 160 : i32
    %scan3A_10 = arith.constant 0 : i32
    %scan3A_11 = arith.constant 0 : i32
    %scan3A_12 = arith.constant 160 : i32
    %scan3A_13 = arith.addi %scan3A_11, %scan3A_12 : i32
    %scan3A_14 = arith.constant 1 : i32
    scf.for %scan3A_21 = %scan3A_11 to %scan3A_13 step %scan3A_14  : i32 {
      %dma_wait3A = arith.constant 0 : i32
      %dma_wait3A_22 = tpu.memref_slice %arg6[%scan3A_21, %dma_wait3A] : memref<160x64xi32, #tpu.memory_space<vmem>> -> memref<1x64xi32, #tpu.memory_space<vmem>>
      %dma_wait3A_23 = tpu.memref_squeeze %dma_wait3A_22 : memref<1x64xi32, #tpu.memory_space<vmem>> -> memref<64xi32, #tpu.memory_space<vmem>>
      %dma_wait3A_24 = arith.constant 0 : i32
      %dma_wait3A_25 = tpu.memref_slice %arg8[%dma_wait3A_24] : memref<10240xf32, #tpu.memory_space<vmem_shared>> -> memref<10240xf32, #tpu.memory_space<vmem_shared>>
      tpu.wait_indirect_dma semaphore(%arg9 : memref<!tpu.dma_semaphore, #tpu.memory_space<semaphore_mem>>) src(%arg7 : memref<64xf32, #tpu.memory_space<vmem>>) dst(%dma_wait3A_25 : memref<10240xf32, #tpu.memory_space<vmem_shared>>)
    }
    %scan3A_15 = arith.constant 160 : i32
    %barrier3A_16 = arith.constant 0 : index
    tpu.barrier barrier_id(%barrier3A_16)
    %mul3A_17 = arith.constant 640 : i32
    %mul3A_18 = arith.muli %arg1, %mul3A_17 : i32
    %mul3A_19 = arith.constant 640 : i32
    %mul3A_20 = arith.muli %arg1, %mul3A_19 : i32
    "tpu.region"() ({
      %run_scoped3A = tpu.sem_alloc : memref<!tpu.dma_semaphore, #tpu.memory_space<semaphore_mem>>
      %dma_start3A = tpu.memref_slice %arg5[%arg0, %mul3A_20] : memref<2x10240xf32, #tpu.memory_space<hbm>> -> memref<1x640xf32, #tpu.memory_space<hbm>>
      %dma_start3A_21 = tpu.memref_squeeze %dma_start3A : memref<1x640xf32, #tpu.memory_space<hbm>> -> memref<640xf32, #tpu.memory_space<hbm>>
      %dma_start3A_22 = tpu.memref_slice %arg8[%mul3A_18] : memref<10240xf32, #tpu.memory_space<vmem_shared>> -> memref<640xf32, #tpu.memory_space<vmem_shared>>
      tpu.enqueue_dma source(%dma_start3A_22 : memref<640xf32, #tpu.memory_space<vmem_shared>>) target(%dma_start3A_21 : memref<640xf32, #tpu.memory_space<hbm>>) target_semaphore(%run_scoped3A : memref<!tpu.dma_semaphore, #tpu.memory_space<semaphore_mem>>)
      %dma_wait3A = tpu.memref_slice %arg5[%arg0, %mul3A_20] : memref<2x10240xf32, #tpu.memory_space<hbm>> -> memref<1x640xf32, #tpu.memory_space<hbm>>
      %dma_wait3A_23 = tpu.memref_squeeze %dma_wait3A : memref<1x640xf32, #tpu.memory_space<hbm>> -> memref<640xf32, #tpu.memory_space<hbm>>
      %dma_wait3A_24 = tpu.memref_slice %arg8[%mul3A_18] : memref<10240xf32, #tpu.memory_space<vmem_shared>> -> memref<640xf32, #tpu.memory_space<vmem_shared>>
      tpu.wait_dma2 semaphore(%run_scoped3A : memref<!tpu.dma_semaphore, #tpu.memory_space<semaphore_mem>>) src(%dma_wait3A_24 : memref<640xf32, #tpu.memory_space<vmem_shared>>) dst(%dma_wait3A_23 : memref<640xf32, #tpu.memory_space<hbm>>)
      tpu.yield
    }) : () -> ()
    return
  }
}

#map = affine_map<(d0, d1) -> (0, 0)>
#map1 = affine_map<(d0, d1) -> (0, 0, 0)>
module attributes {stable_mosaic.version = 14 : i64} {
  func.func @_edge_kernel(%arg0: i32, %arg1: i32, %arg2: memref<10000x128xf32, #tpu.memory_space<hbm>>, %arg3: memref<32x160x64xi32, #tpu.memory_space<hbm>>, %arg4: memref<32x160x64xi32, #tpu.memory_space<hbm>>, %arg5: memref<10240x128xf32, #tpu.memory_space<hbm>>, %arg6: memref<2x10240x128xf32, #tpu.memory_space<hbm>>, %arg7: memref<8x64xi32, #tpu.memory_space<vmem>>, %arg8: memref<8x64xi32, #tpu.memory_space<vmem>>, %arg9: memref<8x64xi32, #tpu.memory_space<vmem>>, %arg10: memref<8x64xi32, #tpu.memory_space<vmem>>, %arg11: memref<64x128xf32, #tpu.memory_space<vmem>>, %arg12: memref<64x128xf32, #tpu.memory_space<vmem>>, %arg13: memref<64x128xf32, #tpu.memory_space<vmem>>, %arg14: memref<64x128xf32, #tpu.memory_space<vmem>>, %arg15: memref<10240x128xf32, #tpu.memory_space<vmem_shared>>, %arg16: memref<!tpu.dma_semaphore, #tpu.memory_space<semaphore_mem>>, %arg17: memref<!tpu.dma_semaphore, #tpu.memory_space<semaphore_mem>>, %arg18: memref<!tpu.dma_semaphore, #tpu.memory_space<semaphore_mem>>, %arg19: memref<!tpu.dma_semaphore, #tpu.memory_space<semaphore_mem>>, %arg20: memref<!tpu.dma_semaphore, #tpu.memory_space<semaphore_mem>>, %arg21: memref<!tpu.dma_semaphore, #tpu.memory_space<semaphore_mem>>, %arg22: memref<!tpu.dma_semaphore, #tpu.memory_space<semaphore_mem>>, %arg23: memref<!tpu.dma_semaphore, #tpu.memory_space<semaphore_mem>>) attributes {dimension_semantics = [#tpu.dimension_semantics<core_parallel>, #tpu.dimension_semantics<subcore_parallel>], iteration_bounds = array<i64: 2, 16>, scalar_prefetch = 0 : i64, scratch_operands = 17 : i64, tpu.core_type = #tpu.core_type<sc_vector_subcore>, window_params = [{transform_indices = #map}, {transform_indices = #map1}, {transform_indices = #map1}, {transform_indices = #map}, {transform_indices = #map1}]} {
    %mul3A = arith.constant 2 : i32
    %mul3A_0 = arith.muli %arg1, %mul3A : i32
    %add3A = arith.addi %mul3A_0, %arg0 : i32
    %mul3A_1 = arith.constant 640 : i32
    %mul3A_2 = arith.muli %arg1, %mul3A_1 : i32
    %mul3A_3 = arith.constant 640 : i32
    %mul3A_4 = arith.muli %arg1, %mul3A_3 : i32
    "tpu.region"() ({
      %run_scoped3A = tpu.sem_alloc : memref<!tpu.dma_semaphore, #tpu.memory_space<semaphore_mem>>
      %dma_start3A_66 = arith.constant 0 : i32
      %dma_start3A_67 = tpu.memref_slice %arg15[%mul3A_4, %dma_start3A_66] : memref<10240x128xf32, #tpu.memory_space<vmem_shared>> -> memref<640x128xf32, #tpu.memory_space<vmem_shared>>
      %dma_start3A_68 = arith.constant 0 : i32
      %dma_start3A_69 = tpu.memref_slice %arg5[%mul3A_2, %dma_start3A_68] : memref<10240x128xf32, #tpu.memory_space<hbm>> -> memref<640x128xf32, #tpu.memory_space<hbm>>
      tpu.enqueue_dma source(%dma_start3A_69 : memref<640x128xf32, #tpu.memory_space<hbm>>) target(%dma_start3A_67 : memref<640x128xf32, #tpu.memory_space<vmem_shared>>) target_semaphore(%run_scoped3A : memref<!tpu.dma_semaphore, #tpu.memory_space<semaphore_mem>>)
      %dma_wait3A = arith.constant 0 : i32
      %dma_wait3A_70 = tpu.memref_slice %arg15[%mul3A_4, %dma_wait3A] : memref<10240x128xf32, #tpu.memory_space<vmem_shared>> -> memref<640x128xf32, #tpu.memory_space<vmem_shared>>
      %dma_wait3A_71 = arith.constant 0 : i32
      %dma_wait3A_72 = tpu.memref_slice %arg5[%mul3A_2, %dma_wait3A_71] : memref<10240x128xf32, #tpu.memory_space<hbm>> -> memref<640x128xf32, #tpu.memory_space<hbm>>
      tpu.wait_dma2 semaphore(%run_scoped3A : memref<!tpu.dma_semaphore, #tpu.memory_space<semaphore_mem>>) src(%dma_wait3A_72 : memref<640x128xf32, #tpu.memory_space<hbm>>) dst(%dma_wait3A_70 : memref<640x128xf32, #tpu.memory_space<vmem_shared>>)
      tpu.yield
    }) : () -> ()
    %barrier3A = arith.constant 0 : index
    tpu.barrier barrier_id(%barrier3A)
    "tpu.region"() ({
      %run_scoped3A = tpu.sem_alloc : memref<!tpu.dma_semaphore, #tpu.memory_space<semaphore_mem>>
      %dma_start3A_66 = arith.constant 0 : i32
      %dma_start3A_67 = arith.constant 0 : i32
      %dma_start3A_68 = tpu.memref_slice %arg3[%add3A, %dma_start3A_66, %dma_start3A_67] : memref<32x160x64xi32, #tpu.memory_space<hbm>> -> memref<1x8x64xi32, #tpu.memory_space<hbm>>
      %dma_start3A_69 = tpu.memref_squeeze %dma_start3A_68 : memref<1x8x64xi32, #tpu.memory_space<hbm>> -> memref<8x64xi32, #tpu.memory_space<hbm>>
      %dma_start3A_70 = arith.constant 0 : i32
      %dma_start3A_71 = arith.constant 0 : i32
      %dma_start3A_72 = tpu.memref_slice %arg3[%add3A, %dma_start3A_70, %dma_start3A_71] : memref<32x160x64xi32, #tpu.memory_space<hbm>> -> memref<1x8x64xi32, #tpu.memory_space<hbm>>
      %dma_start3A_73 = tpu.memref_squeeze %dma_start3A_72 : memref<1x8x64xi32, #tpu.memory_space<hbm>> -> memref<8x64xi32, #tpu.memory_space<hbm>>
      tpu.enqueue_dma source(%dma_start3A_73 : memref<8x64xi32, #tpu.memory_space<hbm>>) target(%arg7 : memref<8x64xi32, #tpu.memory_space<vmem>>) target_semaphore(%run_scoped3A : memref<!tpu.dma_semaphore, #tpu.memory_space<semaphore_mem>>)
      %dma_wait3A = arith.constant 0 : i32
      %dma_wait3A_74 = arith.constant 0 : i32
      %dma_wait3A_75 = tpu.memref_slice %arg3[%add3A, %dma_wait3A, %dma_wait3A_74] : memref<32x160x64xi32, #tpu.memory_space<hbm>> -> memref<1x8x64xi32, #tpu.memory_space<hbm>>
      %dma_wait3A_76 = tpu.memref_squeeze %dma_wait3A_75 : memref<1x8x64xi32, #tpu.memory_space<hbm>> -> memref<8x64xi32, #tpu.memory_space<hbm>>
      %dma_wait3A_77 = arith.constant 0 : i32
      %dma_wait3A_78 = arith.constant 0 : i32
      %dma_wait3A_79 = tpu.memref_slice %arg3[%add3A, %dma_wait3A_77, %dma_wait3A_78] : memref<32x160x64xi32, #tpu.memory_space<hbm>> -> memref<1x8x64xi32, #tpu.memory_space<hbm>>
      %dma_wait3A_80 = tpu.memref_squeeze %dma_wait3A_79 : memref<1x8x64xi32, #tpu.memory_space<hbm>> -> memref<8x64xi32, #tpu.memory_space<hbm>>
      tpu.wait_dma2 semaphore(%run_scoped3A : memref<!tpu.dma_semaphore, #tpu.memory_space<semaphore_mem>>) src(%dma_wait3A_80 : memref<8x64xi32, #tpu.memory_space<hbm>>) dst(%arg7 : memref<8x64xi32, #tpu.memory_space<vmem>>)
      tpu.yield
    }) : () -> ()
    %dma_start3A = arith.constant 8 : i32
    %dma_start3A_5 = arith.constant 0 : i32
    %dma_start3A_6 = tpu.memref_slice %arg3[%add3A, %dma_start3A, %dma_start3A_5] : memref<32x160x64xi32, #tpu.memory_space<hbm>> -> memref<1x8x64xi32, #tpu.memory_space<hbm>>
    %dma_start3A_7 = tpu.memref_squeeze %dma_start3A_6 : memref<1x8x64xi32, #tpu.memory_space<hbm>> -> memref<8x64xi32, #tpu.memory_space<hbm>>
    %dma_start3A_8 = arith.constant 8 : i32
    %dma_start3A_9 = arith.constant 0 : i32
    %dma_start3A_10 = tpu.memref_slice %arg3[%add3A, %dma_start3A_8, %dma_start3A_9] : memref<32x160x64xi32, #tpu.memory_space<hbm>> -> memref<1x8x64xi32, #tpu.memory_space<hbm>>
    %dma_start3A_11 = tpu.memref_squeeze %dma_start3A_10 : memref<1x8x64xi32, #tpu.memory_space<hbm>> -> memref<8x64xi32, #tpu.memory_space<hbm>>
    tpu.enqueue_dma source(%dma_start3A_11 : memref<8x64xi32, #tpu.memory_space<hbm>>) target(%arg8 : memref<8x64xi32, #tpu.memory_space<vmem>>) target_semaphore(%arg21 : memref<!tpu.dma_semaphore, #tpu.memory_space<semaphore_mem>>)
    %dma_start3A_12 = arith.constant 0 : i32
    %dma_start3A_13 = arith.constant 0 : i32
    %dma_start3A_14 = tpu.memref_slice %arg4[%add3A, %dma_start3A_12, %dma_start3A_13] : memref<32x160x64xi32, #tpu.memory_space<hbm>> -> memref<1x8x64xi32, #tpu.memory_space<hbm>>
    %dma_start3A_15 = tpu.memref_squeeze %dma_start3A_14 : memref<1x8x64xi32, #tpu.memory_space<hbm>> -> memref<8x64xi32, #tpu.memory_space<hbm>>
    %dma_start3A_16 = arith.constant 0 : i32
    %dma_start3A_17 = arith.constant 0 : i32
    %dma_start3A_18 = tpu.memref_slice %arg4[%add3A, %dma_start3A_16, %dma_start3A_17] : memref<32x160x64xi32, #tpu.memory_space<hbm>> -> memref<1x8x64xi32, #tpu.memory_space<hbm>>
    %dma_start3A_19 = tpu.memref_squeeze %dma_start3A_18 : memref<1x8x64xi32, #tpu.memory_space<hbm>> -> memref<8x64xi32, #tpu.memory_space<hbm>>
    tpu.enqueue_dma source(%dma_start3A_19 : memref<8x64xi32, #tpu.memory_space<hbm>>) target(%arg9 : memref<8x64xi32, #tpu.memory_space<vmem>>) target_semaphore(%arg22 : memref<!tpu.dma_semaphore, #tpu.memory_space<semaphore_mem>>)
    %dma_start3A_20 = arith.constant 8 : i32
    %dma_start3A_21 = arith.constant 0 : i32
    %dma_start3A_22 = tpu.memref_slice %arg4[%add3A, %dma_start3A_20, %dma_start3A_21] : memref<32x160x64xi32, #tpu.memory_space<hbm>> -> memref<1x8x64xi32, #tpu.memory_space<hbm>>
    %dma_start3A_23 = tpu.memref_squeeze %dma_start3A_22 : memref<1x8x64xi32, #tpu.memory_space<hbm>> -> memref<8x64xi32, #tpu.memory_space<hbm>>
    %dma_start3A_24 = arith.constant 8 : i32
    %dma_start3A_25 = arith.constant 0 : i32
    %dma_start3A_26 = tpu.memref_slice %arg4[%add3A, %dma_start3A_24, %dma_start3A_25] : memref<32x160x64xi32, #tpu.memory_space<hbm>> -> memref<1x8x64xi32, #tpu.memory_space<hbm>>
    %dma_start3A_27 = tpu.memref_squeeze %dma_start3A_26 : memref<1x8x64xi32, #tpu.memory_space<hbm>> -> memref<8x64xi32, #tpu.memory_space<hbm>>
    tpu.enqueue_dma source(%dma_start3A_27 : memref<8x64xi32, #tpu.memory_space<hbm>>) target(%arg10 : memref<8x64xi32, #tpu.memory_space<vmem>>) target_semaphore(%arg23 : memref<!tpu.dma_semaphore, #tpu.memory_space<semaphore_mem>>)
    %dma_start3A_28 = arith.constant 0 : i32
    %dma_start3A_29 = arith.constant 0 : i32
    %dma_start3A_30 = tpu.memref_slice %arg7[%dma_start3A_28, %dma_start3A_29] : memref<8x64xi32, #tpu.memory_space<vmem>> -> memref<1x64xi32, #tpu.memory_space<vmem>>
    %dma_start3A_31 = tpu.memref_squeeze %dma_start3A_30 : memref<1x64xi32, #tpu.memory_space<vmem>> -> memref<64xi32, #tpu.memory_space<vmem>>
    %dma_start3A_32 = arith.constant 0 : i32
    %dma_start3A_33 = arith.constant 0 : i32
    %dma_start3A_34 = tpu.memref_slice %arg2[%dma_start3A_32, %dma_start3A_33] : memref<10000x128xf32, #tpu.memory_space<hbm>> -> memref<10000x128xf32, #tpu.memory_space<hbm>>
    tpu.enqueue_indirect_dma source(%dma_start3A_34 : memref<10000x128xf32, #tpu.memory_space<hbm>>) target(%arg11 : memref<64x128xf32, #tpu.memory_space<vmem>>) offsets(%dma_start3A_31 : memref<64xi32, #tpu.memory_space<vmem>>) semaphore(%arg16 : memref<!tpu.dma_semaphore, #tpu.memory_space<semaphore_mem>>)
    %dma_start3A_35 = arith.constant 1 : i32
    %dma_start3A_36 = arith.constant 0 : i32
    %dma_start3A_37 = tpu.memref_slice %arg7[%dma_start3A_35, %dma_start3A_36] : memref<8x64xi32, #tpu.memory_space<vmem>> -> memref<1x64xi32, #tpu.memory_space<vmem>>
    %dma_start3A_38 = tpu.memref_squeeze %dma_start3A_37 : memref<1x64xi32, #tpu.memory_space<vmem>> -> memref<64xi32, #tpu.memory_space<vmem>>
    %dma_start3A_39 = arith.constant 0 : i32
    %dma_start3A_40 = arith.constant 0 : i32
    %dma_start3A_41 = tpu.memref_slice %arg2[%dma_start3A_39, %dma_start3A_40] : memref<10000x128xf32, #tpu.memory_space<hbm>> -> memref<10000x128xf32, #tpu.memory_space<hbm>>
    tpu.enqueue_indirect_dma source(%dma_start3A_41 : memref<10000x128xf32, #tpu.memory_space<hbm>>) target(%arg12 : memref<64x128xf32, #tpu.memory_space<vmem>>) offsets(%dma_start3A_38 : memref<64xi32, #tpu.memory_space<vmem>>) semaphore(%arg17 : memref<!tpu.dma_semaphore, #tpu.memory_space<semaphore_mem>>)
    %dma_start3A_42 = arith.constant 2 : i32
    %dma_start3A_43 = arith.constant 0 : i32
    %dma_start3A_44 = tpu.memref_slice %arg7[%dma_start3A_42, %dma_start3A_43] : memref<8x64xi32, #tpu.memory_space<vmem>> -> memref<1x64xi32, #tpu.memory_space<vmem>>
    %dma_start3A_45 = tpu.memref_squeeze %dma_start3A_44 : memref<1x64xi32, #tpu.memory_space<vmem>> -> memref<64xi32, #tpu.memory_space<vmem>>
    %dma_start3A_46 = arith.constant 0 : i32
    %dma_start3A_47 = arith.constant 0 : i32
    %dma_start3A_48 = tpu.memref_slice %arg2[%dma_start3A_46, %dma_start3A_47] : memref<10000x128xf32, #tpu.memory_space<hbm>> -> memref<10000x128xf32, #tpu.memory_space<hbm>>
    tpu.enqueue_indirect_dma source(%dma_start3A_48 : memref<10000x128xf32, #tpu.memory_space<hbm>>) target(%arg13 : memref<64x128xf32, #tpu.memory_space<vmem>>) offsets(%dma_start3A_45 : memref<64xi32, #tpu.memory_space<vmem>>) semaphore(%arg18 : memref<!tpu.dma_semaphore, #tpu.memory_space<semaphore_mem>>)
    %dma_start3A_49 = arith.constant 3 : i32
    %dma_start3A_50 = arith.constant 0 : i32
    %dma_start3A_51 = tpu.memref_slice %arg7[%dma_start3A_49, %dma_start3A_50] : memref<8x64xi32, #tpu.memory_space<vmem>> -> memref<1x64xi32, #tpu.memory_space<vmem>>
    %dma_start3A_52 = tpu.memref_squeeze %dma_start3A_51 : memref<1x64xi32, #tpu.memory_space<vmem>> -> memref<64xi32, #tpu.memory_space<vmem>>
    %dma_start3A_53 = arith.constant 0 : i32
    %dma_start3A_54 = arith.constant 0 : i32
    %dma_start3A_55 = tpu.memref_slice %arg2[%dma_start3A_53, %dma_start3A_54] : memref<10000x128xf32, #tpu.memory_space<hbm>> -> memref<10000x128xf32, #tpu.memory_space<hbm>>
    tpu.enqueue_indirect_dma source(%dma_start3A_55 : memref<10000x128xf32, #tpu.memory_space<hbm>>) target(%arg14 : memref<64x128xf32, #tpu.memory_space<vmem>>) offsets(%dma_start3A_52 : memref<64xi32, #tpu.memory_space<vmem>>) semaphore(%arg19 : memref<!tpu.dma_semaphore, #tpu.memory_space<semaphore_mem>>)
    %scan3A = arith.constant 0 : i32
    %scan3A_56 = arith.constant 0 : i32
    %scan3A_57 = arith.constant 10 : i32
    %scan3A_58 = arith.addi %scan3A_56, %scan3A_57 : i32
    %scan3A_59 = arith.constant 1 : i32
    scf.for %scan3A_66 = %scan3A_56 to %scan3A_58 step %scan3A_59  : i32 {
      %mul3A_67 = arith.constant 2 : i32
      %mul3A_68 = arith.muli %mul3A_67, %scan3A_66 : i32
      %add3A_69 = arith.constant 0 : i32
      %add3A_70 = arith.addi %mul3A_68, %add3A_69 : i32
      %mul3A_71 = arith.constant 8 : i32
      %mul3A_72 = arith.muli %add3A_70, %mul3A_71 : i32
      %dma_wait3A = arith.constant 0 : i32
      %dma_wait3A_73 = tpu.memref_slice %arg4[%add3A, %mul3A_72, %dma_wait3A] : memref<32x160x64xi32, #tpu.memory_space<hbm>> -> memref<1x8x64xi32, #tpu.memory_space<hbm>>
      %dma_wait3A_74 = tpu.memref_squeeze %dma_wait3A_73 : memref<1x8x64xi32, #tpu.memory_space<hbm>> -> memref<8x64xi32, #tpu.memory_space<hbm>>
      %dma_wait3A_75 = arith.constant 0 : i32
      %dma_wait3A_76 = tpu.memref_slice %arg4[%add3A, %mul3A_72, %dma_wait3A_75] : memref<32x160x64xi32, #tpu.memory_space<hbm>> -> memref<1x8x64xi32, #tpu.memory_space<hbm>>
      %dma_wait3A_77 = tpu.memref_squeeze %dma_wait3A_76 : memref<1x8x64xi32, #tpu.memory_space<hbm>> -> memref<8x64xi32, #tpu.memory_space<hbm>>
      tpu.wait_dma2 semaphore(%arg22 : memref<!tpu.dma_semaphore, #tpu.memory_space<semaphore_mem>>) src(%dma_wait3A_77 : memref<8x64xi32, #tpu.memory_space<hbm>>) dst(%arg9 : memref<8x64xi32, #tpu.memory_space<vmem>>)
      %mul3A_78 = arith.constant 8 : i32
      %mul3A_79 = arith.muli %add3A_70, %mul3A_78 : i32
      %add3A_80 = arith.constant 0 : i32
      %add3A_81 = arith.addi %mul3A_79, %add3A_80 : i32
      %dma_wait3A_82 = arith.constant 0 : i32
      %dma_wait3A_83 = arith.constant 0 : i32
      %dma_wait3A_84 = tpu.memref_slice %arg7[%dma_wait3A_82, %dma_wait3A_83] : memref<8x64xi32, #tpu.memory_space<vmem>> -> memref<1x64xi32, #tpu.memory_space<vmem>>
      %dma_wait3A_85 = tpu.memref_squeeze %dma_wait3A_84 : memref<1x64xi32, #tpu.memory_space<vmem>> -> memref<64xi32, #tpu.memory_space<vmem>>
      %dma_wait3A_86 = arith.constant 0 : i32
      %dma_wait3A_87 = arith.constant 0 : i32
      %dma_wait3A_88 = tpu.memref_slice %arg2[%dma_wait3A_86, %dma_wait3A_87] : memref<10000x128xf32, #tpu.memory_space<hbm>> -> memref<10000x128xf32, #tpu.memory_space<hbm>>
      tpu.wait_indirect_dma semaphore(%arg16 : memref<!tpu.dma_semaphore, #tpu.memory_space<semaphore_mem>>) src(%dma_wait3A_88 : memref<10000x128xf32, #tpu.memory_space<hbm>>) dst(%arg11 : memref<64x128xf32, #tpu.memory_space<vmem>>)
      %run_scoped3A = arith.constant 0 : i32
      "tpu.region"() ({
        %run_scoped3A_404 = tpu.sem_alloc : memref<!tpu.dma_semaphore, #tpu.memory_space<semaphore_mem>>
        %dma_start3A_405 = arith.constant 0 : i32
        %dma_start3A_406 = tpu.memref_slice %arg9[%run_scoped3A, %dma_start3A_405] : memref<8x64xi32, #tpu.memory_space<vmem>> -> memref<1x64xi32, #tpu.memory_space<vmem>>
        %dma_start3A_407 = tpu.memref_squeeze %dma_start3A_406 : memref<1x64xi32, #tpu.memory_space<vmem>> -> memref<64xi32, #tpu.memory_space<vmem>>
        %dma_start3A_408 = arith.constant 0 : i32
        %dma_start3A_409 = arith.constant 0 : i32
        %dma_start3A_410 = tpu.memref_slice %arg15[%dma_start3A_408, %dma_start3A_409] : memref<10240x128xf32, #tpu.memory_space<vmem_shared>> -> memref<10240x128xf32, #tpu.memory_space<vmem_shared>>
        tpu.enqueue_indirect_dma source(%arg11 : memref<64x128xf32, #tpu.memory_space<vmem>>) target(%dma_start3A_410 : memref<10240x128xf32, #tpu.memory_space<vmem_shared>>) offsets(%dma_start3A_407 : memref<64xi32, #tpu.memory_space<vmem>>) semaphore(%run_scoped3A_404 : memref<!tpu.dma_semaphore, #tpu.memory_space<semaphore_mem>>) {add = true}
        %dma_wait3A_411 = arith.constant 0 : i32
        %dma_wait3A_412 = tpu.memref_slice %arg9[%run_scoped3A, %dma_wait3A_411] : memref<8x64xi32, #tpu.memory_space<vmem>> -> memref<1x64xi32, #tpu.memory_space<vmem>>
        %dma_wait3A_413 = tpu.memref_squeeze %dma_wait3A_412 : memref<1x64xi32, #tpu.memory_space<vmem>> -> memref<64xi32, #tpu.memory_space<vmem>>
        %dma_wait3A_414 = arith.constant 0 : i32
        %dma_wait3A_415 = arith.constant 0 : i32
        %dma_wait3A_416 = tpu.memref_slice %arg15[%dma_wait3A_414, %dma_wait3A_415] : memref<10240x128xf32, #tpu.memory_space<vmem_shared>> -> memref<10240x128xf32, #tpu.memory_space<vmem_shared>>
        tpu.wait_indirect_dma semaphore(%run_scoped3A_404 : memref<!tpu.dma_semaphore, #tpu.memory_space<semaphore_mem>>) src(%arg11 : memref<64x128xf32, #tpu.memory_space<vmem>>) dst(%dma_wait3A_416 : memref<10240x128xf32, #tpu.memory_space<vmem_shared>>)
        tpu.yield
      }) : () -> ()
      %add3A_89 = arith.constant 4 : i32
      %add3A_90 = arith.addi %add3A_81, %add3A_89 : i32
      %lt3A = arith.constant 160 : i32
      %lt3A_91 = arith.cmpi slt, %add3A_90, %lt3A : i32
      %convert_element_type3A = arith.extui %lt3A_91 : i1 to i32
      %cond3A = arith.constant 0 : i32
      %cond3A_92 = arith.cmpi ne, %convert_element_type3A, %cond3A : i32
      scf.if %cond3A_92 {
        %dma_start3A_404 = arith.constant 4 : i32
        %dma_start3A_405 = arith.constant 0 : i32
        %dma_start3A_406 = tpu.memref_slice %arg7[%dma_start3A_404, %dma_start3A_405] : memref<8x64xi32, #tpu.memory_space<vmem>> -> memref<1x64xi32, #tpu.memory_space<vmem>>
        %dma_start3A_407 = tpu.memref_squeeze %dma_start3A_406 : memref<1x64xi32, #tpu.memory_space<vmem>> -> memref<64xi32, #tpu.memory_space<vmem>>
        %dma_start3A_408 = arith.constant 0 : i32
        %dma_start3A_409 = arith.constant 0 : i32
        %dma_start3A_410 = tpu.memref_slice %arg2[%dma_start3A_408, %dma_start3A_409] : memref<10000x128xf32, #tpu.memory_space<hbm>> -> memref<10000x128xf32, #tpu.memory_space<hbm>>
        tpu.enqueue_indirect_dma source(%dma_start3A_410 : memref<10000x128xf32, #tpu.memory_space<hbm>>) target(%arg11 : memref<64x128xf32, #tpu.memory_space<vmem>>) offsets(%dma_start3A_407 : memref<64xi32, #tpu.memory_space<vmem>>) semaphore(%arg16 : memref<!tpu.dma_semaphore, #tpu.memory_space<semaphore_mem>>)
      } else {
      }
      %mul3A_93 = arith.constant 8 : i32
      %mul3A_94 = arith.muli %add3A_70, %mul3A_93 : i32
      %add3A_95 = arith.constant 1 : i32
      %add3A_96 = arith.addi %mul3A_94, %add3A_95 : i32
      %dma_wait3A_97 = arith.constant 1 : i32
      %dma_wait3A_98 = arith.constant 0 : i32
      %dma_wait3A_99 = tpu.memref_slice %arg7[%dma_wait3A_97, %dma_wait3A_98] : memref<8x64xi32, #tpu.memory_space<vmem>> -> memref<1x64xi32, #tpu.memory_space<vmem>>
      %dma_wait3A_100 = tpu.memref_squeeze %dma_wait3A_99 : memref<1x64xi32, #tpu.memory_space<vmem>> -> memref<64xi32, #tpu.memory_space<vmem>>
      %dma_wait3A_101 = arith.constant 0 : i32
      %dma_wait3A_102 = arith.constant 0 : i32
      %dma_wait3A_103 = tpu.memref_slice %arg2[%dma_wait3A_101, %dma_wait3A_102] : memref<10000x128xf32, #tpu.memory_space<hbm>> -> memref<10000x128xf32, #tpu.memory_space<hbm>>
      tpu.wait_indirect_dma semaphore(%arg17 : memref<!tpu.dma_semaphore, #tpu.memory_space<semaphore_mem>>) src(%dma_wait3A_103 : memref<10000x128xf32, #tpu.memory_space<hbm>>) dst(%arg12 : memref<64x128xf32, #tpu.memory_space<vmem>>)
      %run_scoped3A_104 = arith.constant 1 : i32
      "tpu.region"() ({
        %run_scoped3A_404 = tpu.sem_alloc : memref<!tpu.dma_semaphore, #tpu.memory_space<semaphore_mem>>
        %dma_start3A_405 = arith.constant 0 : i32
        %dma_start3A_406 = tpu.memref_slice %arg9[%run_scoped3A_104, %dma_start3A_405] : memref<8x64xi32, #tpu.memory_space<vmem>> -> memref<1x64xi32, #tpu.memory_space<vmem>>
        %dma_start3A_407 = tpu.memref_squeeze %dma_start3A_406 : memref<1x64xi32, #tpu.memory_space<vmem>> -> memref<64xi32, #tpu.memory_space<vmem>>
        %dma_start3A_408 = arith.constant 0 : i32
        %dma_start3A_409 = arith.constant 0 : i32
        %dma_start3A_410 = tpu.memref_slice %arg15[%dma_start3A_408, %dma_start3A_409] : memref<10240x128xf32, #tpu.memory_space<vmem_shared>> -> memref<10240x128xf32, #tpu.memory_space<vmem_shared>>
        tpu.enqueue_indirect_dma source(%arg12 : memref<64x128xf32, #tpu.memory_space<vmem>>) target(%dma_start3A_410 : memref<10240x128xf32, #tpu.memory_space<vmem_shared>>) offsets(%dma_start3A_407 : memref<64xi32, #tpu.memory_space<vmem>>) semaphore(%run_scoped3A_404 : memref<!tpu.dma_semaphore, #tpu.memory_space<semaphore_mem>>) {add = true}
        %dma_wait3A_411 = arith.constant 0 : i32
        %dma_wait3A_412 = tpu.memref_slice %arg9[%run_scoped3A_104, %dma_wait3A_411] : memref<8x64xi32, #tpu.memory_space<vmem>> -> memref<1x64xi32, #tpu.memory_space<vmem>>
        %dma_wait3A_413 = tpu.memref_squeeze %dma_wait3A_412 : memref<1x64xi32, #tpu.memory_space<vmem>> -> memref<64xi32, #tpu.memory_space<vmem>>
        %dma_wait3A_414 = arith.constant 0 : i32
        %dma_wait3A_415 = arith.constant 0 : i32
        %dma_wait3A_416 = tpu.memref_slice %arg15[%dma_wait3A_414, %dma_wait3A_415] : memref<10240x128xf32, #tpu.memory_space<vmem_shared>> -> memref<10240x128xf32, #tpu.memory_space<vmem_shared>>
        tpu.wait_indirect_dma semaphore(%run_scoped3A_404 : memref<!tpu.dma_semaphore, #tpu.memory_space<semaphore_mem>>) src(%arg12 : memref<64x128xf32, #tpu.memory_space<vmem>>) dst(%dma_wait3A_416 : memref<10240x128xf32, #tpu.memory_space<vmem_shared>>)
        tpu.yield
      }) : () -> ()
      %add3A_105 = arith.constant 4 : i32
      %add3A_106 = arith.addi %add3A_96, %add3A_105 : i32
      %lt3A_107 = arith.constant 160 : i32
      %lt3A_108 = arith.cmpi slt, %add3A_106, %lt3A_107 : i32
      %convert_element_type3A_109 = arith.extui %lt3A_108 : i1 to i32
      %cond3A_110 = arith.constant 0 : i32
      %cond3A_111 = arith.cmpi ne, %convert_element_type3A_109, %cond3A_110 : i32
      scf.if %cond3A_111 {
        %dma_start3A_404 = arith.constant 5 : i32
        %dma_start3A_405 = arith.constant 0 : i32
        %dma_start3A_406 = tpu.memref_slice %arg7[%dma_start3A_404, %dma_start3A_405] : memref<8x64xi32, #tpu.memory_space<vmem>> -> memref<1x64xi32, #tpu.memory_space<vmem>>
        %dma_start3A_407 = tpu.memref_squeeze %dma_start3A_406 : memref<1x64xi32, #tpu.memory_space<vmem>> -> memref<64xi32, #tpu.memory_space<vmem>>
        %dma_start3A_408 = arith.constant 0 : i32
        %dma_start3A_409 = arith.constant 0 : i32
        %dma_start3A_410 = tpu.memref_slice %arg2[%dma_start3A_408, %dma_start3A_409] : memref<10000x128xf32, #tpu.memory_space<hbm>> -> memref<10000x128xf32, #tpu.memory_space<hbm>>
        tpu.enqueue_indirect_dma source(%dma_start3A_410 : memref<10000x128xf32, #tpu.memory_space<hbm>>) target(%arg12 : memref<64x128xf32, #tpu.memory_space<vmem>>) offsets(%dma_start3A_407 : memref<64xi32, #tpu.memory_space<vmem>>) semaphore(%arg17 : memref<!tpu.dma_semaphore, #tpu.memory_space<semaphore_mem>>)
      } else {
      }
      %mul3A_112 = arith.constant 8 : i32
      %mul3A_113 = arith.muli %add3A_70, %mul3A_112 : i32
      %add3A_114 = arith.constant 2 : i32
      %add3A_115 = arith.addi %mul3A_113, %add3A_114 : i32
      %dma_wait3A_116 = arith.constant 2 : i32
      %dma_wait3A_117 = arith.constant 0 : i32
      %dma_wait3A_118 = tpu.memref_slice %arg7[%dma_wait3A_116, %dma_wait3A_117] : memref<8x64xi32, #tpu.memory_space<vmem>> -> memref<1x64xi32, #tpu.memory_space<vmem>>
      %dma_wait3A_119 = tpu.memref_squeeze %dma_wait3A_118 : memref<1x64xi32, #tpu.memory_space<vmem>> -> memref<64xi32, #tpu.memory_space<vmem>>
      %dma_wait3A_120 = arith.constant 0 : i32
      %dma_wait3A_121 = arith.constant 0 : i32
      %dma_wait3A_122 = tpu.memref_slice %arg2[%dma_wait3A_120, %dma_wait3A_121] : memref<10000x128xf32, #tpu.memory_space<hbm>> -> memref<10000x128xf32, #tpu.memory_space<hbm>>
      tpu.wait_indirect_dma semaphore(%arg18 : memref<!tpu.dma_semaphore, #tpu.memory_space<semaphore_mem>>) src(%dma_wait3A_122 : memref<10000x128xf32, #tpu.memory_space<hbm>>) dst(%arg13 : memref<64x128xf32, #tpu.memory_space<vmem>>)
      %run_scoped3A_123 = arith.constant 2 : i32
      "tpu.region"() ({
        %run_scoped3A_404 = tpu.sem_alloc : memref<!tpu.dma_semaphore, #tpu.memory_space<semaphore_mem>>
        %dma_start3A_405 = arith.constant 0 : i32
        %dma_start3A_406 = tpu.memref_slice %arg9[%run_scoped3A_123, %dma_start3A_405] : memref<8x64xi32, #tpu.memory_space<vmem>> -> memref<1x64xi32, #tpu.memory_space<vmem>>
        %dma_start3A_407 = tpu.memref_squeeze %dma_start3A_406 : memref<1x64xi32, #tpu.memory_space<vmem>> -> memref<64xi32, #tpu.memory_space<vmem>>
        %dma_start3A_408 = arith.constant 0 : i32
        %dma_start3A_409 = arith.constant 0 : i32
        %dma_start3A_410 = tpu.memref_slice %arg15[%dma_start3A_408, %dma_start3A_409] : memref<10240x128xf32, #tpu.memory_space<vmem_shared>> -> memref<10240x128xf32, #tpu.memory_space<vmem_shared>>
        tpu.enqueue_indirect_dma source(%arg13 : memref<64x128xf32, #tpu.memory_space<vmem>>) target(%dma_start3A_410 : memref<10240x128xf32, #tpu.memory_space<vmem_shared>>) offsets(%dma_start3A_407 : memref<64xi32, #tpu.memory_space<vmem>>) semaphore(%run_scoped3A_404 : memref<!tpu.dma_semaphore, #tpu.memory_space<semaphore_mem>>) {add = true}
        %dma_wait3A_411 = arith.constant 0 : i32
        %dma_wait3A_412 = tpu.memref_slice %arg9[%run_scoped3A_123, %dma_wait3A_411] : memref<8x64xi32, #tpu.memory_space<vmem>> -> memref<1x64xi32, #tpu.memory_space<vmem>>
        %dma_wait3A_413 = tpu.memref_squeeze %dma_wait3A_412 : memref<1x64xi32, #tpu.memory_space<vmem>> -> memref<64xi32, #tpu.memory_space<vmem>>
        %dma_wait3A_414 = arith.constant 0 : i32
        %dma_wait3A_415 = arith.constant 0 : i32
        %dma_wait3A_416 = tpu.memref_slice %arg15[%dma_wait3A_414, %dma_wait3A_415] : memref<10240x128xf32, #tpu.memory_space<vmem_shared>> -> memref<10240x128xf32, #tpu.memory_space<vmem_shared>>
        tpu.wait_indirect_dma semaphore(%run_scoped3A_404 : memref<!tpu.dma_semaphore, #tpu.memory_space<semaphore_mem>>) src(%arg13 : memref<64x128xf32, #tpu.memory_space<vmem>>) dst(%dma_wait3A_416 : memref<10240x128xf32, #tpu.memory_space<vmem_shared>>)
        tpu.yield
      }) : () -> ()
      %add3A_124 = arith.constant 4 : i32
      %add3A_125 = arith.addi %add3A_115, %add3A_124 : i32
      %lt3A_126 = arith.constant 160 : i32
      %lt3A_127 = arith.cmpi slt, %add3A_125, %lt3A_126 : i32
      %convert_element_type3A_128 = arith.extui %lt3A_127 : i1 to i32
      %cond3A_129 = arith.constant 0 : i32
      %cond3A_130 = arith.cmpi ne, %convert_element_type3A_128, %cond3A_129 : i32
      scf.if %cond3A_130 {
        %dma_start3A_404 = arith.constant 6 : i32
        %dma_start3A_405 = arith.constant 0 : i32
        %dma_start3A_406 = tpu.memref_slice %arg7[%dma_start3A_404, %dma_start3A_405] : memref<8x64xi32, #tpu.memory_space<vmem>> -> memref<1x64xi32, #tpu.memory_space<vmem>>
        %dma_start3A_407 = tpu.memref_squeeze %dma_start3A_406 : memref<1x64xi32, #tpu.memory_space<vmem>> -> memref<64xi32, #tpu.memory_space<vmem>>
        %dma_start3A_408 = arith.constant 0 : i32
        %dma_start3A_409 = arith.constant 0 : i32
        %dma_start3A_410 = tpu.memref_slice %arg2[%dma_start3A_408, %dma_start3A_409] : memref<10000x128xf32, #tpu.memory_space<hbm>> -> memref<10000x128xf32, #tpu.memory_space<hbm>>
        tpu.enqueue_indirect_dma source(%dma_start3A_410 : memref<10000x128xf32, #tpu.memory_space<hbm>>) target(%arg13 : memref<64x128xf32, #tpu.memory_space<vmem>>) offsets(%dma_start3A_407 : memref<64xi32, #tpu.memory_space<vmem>>) semaphore(%arg18 : memref<!tpu.dma_semaphore, #tpu.memory_space<semaphore_mem>>)
      } else {
      }
      %mul3A_131 = arith.constant 8 : i32
      %mul3A_132 = arith.muli %add3A_70, %mul3A_131 : i32
      %add3A_133 = arith.constant 3 : i32
      %add3A_134 = arith.addi %mul3A_132, %add3A_133 : i32
      %dma_wait3A_135 = arith.constant 3 : i32
      %dma_wait3A_136 = arith.constant 0 : i32
      %dma_wait3A_137 = tpu.memref_slice %arg7[%dma_wait3A_135, %dma_wait3A_136] : memref<8x64xi32, #tpu.memory_space<vmem>> -> memref<1x64xi32, #tpu.memory_space<vmem>>
      %dma_wait3A_138 = tpu.memref_squeeze %dma_wait3A_137 : memref<1x64xi32, #tpu.memory_space<vmem>> -> memref<64xi32, #tpu.memory_space<vmem>>
      %dma_wait3A_139 = arith.constant 0 : i32
      %dma_wait3A_140 = arith.constant 0 : i32
      %dma_wait3A_141 = tpu.memref_slice %arg2[%dma_wait3A_139, %dma_wait3A_140] : memref<10000x128xf32, #tpu.memory_space<hbm>> -> memref<10000x128xf32, #tpu.memory_space<hbm>>
      tpu.wait_indirect_dma semaphore(%arg19 : memref<!tpu.dma_semaphore, #tpu.memory_space<semaphore_mem>>) src(%dma_wait3A_141 : memref<10000x128xf32, #tpu.memory_space<hbm>>) dst(%arg14 : memref<64x128xf32, #tpu.memory_space<vmem>>)
      %run_scoped3A_142 = arith.constant 3 : i32
      "tpu.region"() ({
        %run_scoped3A_404 = tpu.sem_alloc : memref<!tpu.dma_semaphore, #tpu.memory_space<semaphore_mem>>
        %dma_start3A_405 = arith.constant 0 : i32
        %dma_start3A_406 = tpu.memref_slice %arg9[%run_scoped3A_142, %dma_start3A_405] : memref<8x64xi32, #tpu.memory_space<vmem>> -> memref<1x64xi32, #tpu.memory_space<vmem>>
        %dma_start3A_407 = tpu.memref_squeeze %dma_start3A_406 : memref<1x64xi32, #tpu.memory_space<vmem>> -> memref<64xi32, #tpu.memory_space<vmem>>
        %dma_start3A_408 = arith.constant 0 : i32
        %dma_start3A_409 = arith.constant 0 : i32
        %dma_start3A_410 = tpu.memref_slice %arg15[%dma_start3A_408, %dma_start3A_409] : memref<10240x128xf32, #tpu.memory_space<vmem_shared>> -> memref<10240x128xf32, #tpu.memory_space<vmem_shared>>
        tpu.enqueue_indirect_dma source(%arg14 : memref<64x128xf32, #tpu.memory_space<vmem>>) target(%dma_start3A_410 : memref<10240x128xf32, #tpu.memory_space<vmem_shared>>) offsets(%dma_start3A_407 : memref<64xi32, #tpu.memory_space<vmem>>) semaphore(%run_scoped3A_404 : memref<!tpu.dma_semaphore, #tpu.memory_space<semaphore_mem>>) {add = true}
        %dma_wait3A_411 = arith.constant 0 : i32
        %dma_wait3A_412 = tpu.memref_slice %arg9[%run_scoped3A_142, %dma_wait3A_411] : memref<8x64xi32, #tpu.memory_space<vmem>> -> memref<1x64xi32, #tpu.memory_space<vmem>>
        %dma_wait3A_413 = tpu.memref_squeeze %dma_wait3A_412 : memref<1x64xi32, #tpu.memory_space<vmem>> -> memref<64xi32, #tpu.memory_space<vmem>>
        %dma_wait3A_414 = arith.constant 0 : i32
        %dma_wait3A_415 = arith.constant 0 : i32
        %dma_wait3A_416 = tpu.memref_slice %arg15[%dma_wait3A_414, %dma_wait3A_415] : memref<10240x128xf32, #tpu.memory_space<vmem_shared>> -> memref<10240x128xf32, #tpu.memory_space<vmem_shared>>
        tpu.wait_indirect_dma semaphore(%run_scoped3A_404 : memref<!tpu.dma_semaphore, #tpu.memory_space<semaphore_mem>>) src(%arg14 : memref<64x128xf32, #tpu.memory_space<vmem>>) dst(%dma_wait3A_416 : memref<10240x128xf32, #tpu.memory_space<vmem_shared>>)
        tpu.yield
      }) : () -> ()
      %add3A_143 = arith.constant 4 : i32
      %add3A_144 = arith.addi %add3A_134, %add3A_143 : i32
      %lt3A_145 = arith.constant 160 : i32
      %lt3A_146 = arith.cmpi slt, %add3A_144, %lt3A_145 : i32
      %convert_element_type3A_147 = arith.extui %lt3A_146 : i1 to i32
      %cond3A_148 = arith.constant 0 : i32
      %cond3A_149 = arith.cmpi ne, %convert_element_type3A_147, %cond3A_148 : i32
      scf.if %cond3A_149 {
        %dma_start3A_404 = arith.constant 7 : i32
        %dma_start3A_405 = arith.constant 0 : i32
        %dma_start3A_406 = tpu.memref_slice %arg7[%dma_start3A_404, %dma_start3A_405] : memref<8x64xi32, #tpu.memory_space<vmem>> -> memref<1x64xi32, #tpu.memory_space<vmem>>
        %dma_start3A_407 = tpu.memref_squeeze %dma_start3A_406 : memref<1x64xi32, #tpu.memory_space<vmem>> -> memref<64xi32, #tpu.memory_space<vmem>>
        %dma_start3A_408 = arith.constant 0 : i32
        %dma_start3A_409 = arith.constant 0 : i32
        %dma_start3A_410 = tpu.memref_slice %arg2[%dma_start3A_408, %dma_start3A_409] : memref<10000x128xf32, #tpu.memory_space<hbm>> -> memref<10000x128xf32, #tpu.memory_space<hbm>>
        tpu.enqueue_indirect_dma source(%dma_start3A_410 : memref<10000x128xf32, #tpu.memory_space<hbm>>) target(%arg14 : memref<64x128xf32, #tpu.memory_space<vmem>>) offsets(%dma_start3A_407 : memref<64xi32, #tpu.memory_space<vmem>>) semaphore(%arg19 : memref<!tpu.dma_semaphore, #tpu.memory_space<semaphore_mem>>)
      } else {
      }
      %mul3A_150 = arith.constant 8 : i32
      %mul3A_151 = arith.muli %add3A_70, %mul3A_150 : i32
      %add3A_152 = arith.constant 4 : i32
      %add3A_153 = arith.addi %mul3A_151, %add3A_152 : i32
      %dma_wait3A_154 = arith.constant 4 : i32
      %dma_wait3A_155 = arith.constant 0 : i32
      %dma_wait3A_156 = tpu.memref_slice %arg7[%dma_wait3A_154, %dma_wait3A_155] : memref<8x64xi32, #tpu.memory_space<vmem>> -> memref<1x64xi32, #tpu.memory_space<vmem>>
      %dma_wait3A_157 = tpu.memref_squeeze %dma_wait3A_156 : memref<1x64xi32, #tpu.memory_space<vmem>> -> memref<64xi32, #tpu.memory_space<vmem>>
      %dma_wait3A_158 = arith.constant 0 : i32
      %dma_wait3A_159 = arith.constant 0 : i32
      %dma_wait3A_160 = tpu.memref_slice %arg2[%dma_wait3A_158, %dma_wait3A_159] : memref<10000x128xf32, #tpu.memory_space<hbm>> -> memref<10000x128xf32, #tpu.memory_space<hbm>>
      tpu.wait_indirect_dma semaphore(%arg16 : memref<!tpu.dma_semaphore, #tpu.memory_space<semaphore_mem>>) src(%dma_wait3A_160 : memref<10000x128xf32, #tpu.memory_space<hbm>>) dst(%arg11 : memref<64x128xf32, #tpu.memory_space<vmem>>)
      %run_scoped3A_161 = arith.constant 4 : i32
      "tpu.region"() ({
        %run_scoped3A_404 = tpu.sem_alloc : memref<!tpu.dma_semaphore, #tpu.memory_space<semaphore_mem>>
        %dma_start3A_405 = arith.constant 0 : i32
        %dma_start3A_406 = tpu.memref_slice %arg9[%run_scoped3A_161, %dma_start3A_405] : memref<8x64xi32, #tpu.memory_space<vmem>> -> memref<1x64xi32, #tpu.memory_space<vmem>>
        %dma_start3A_407 = tpu.memref_squeeze %dma_start3A_406 : memref<1x64xi32, #tpu.memory_space<vmem>> -> memref<64xi32, #tpu.memory_space<vmem>>
        %dma_start3A_408 = arith.constant 0 : i32
        %dma_start3A_409 = arith.constant 0 : i32
        %dma_start3A_410 = tpu.memref_slice %arg15[%dma_start3A_408, %dma_start3A_409] : memref<10240x128xf32, #tpu.memory_space<vmem_shared>> -> memref<10240x128xf32, #tpu.memory_space<vmem_shared>>
        tpu.enqueue_indirect_dma source(%arg11 : memref<64x128xf32, #tpu.memory_space<vmem>>) target(%dma_start3A_410 : memref<10240x128xf32, #tpu.memory_space<vmem_shared>>) offsets(%dma_start3A_407 : memref<64xi32, #tpu.memory_space<vmem>>) semaphore(%run_scoped3A_404 : memref<!tpu.dma_semaphore, #tpu.memory_space<semaphore_mem>>) {add = true}
        %dma_wait3A_411 = arith.constant 0 : i32
        %dma_wait3A_412 = tpu.memref_slice %arg9[%run_scoped3A_161, %dma_wait3A_411] : memref<8x64xi32, #tpu.memory_space<vmem>> -> memref<1x64xi32, #tpu.memory_space<vmem>>
        %dma_wait3A_413 = tpu.memref_squeeze %dma_wait3A_412 : memref<1x64xi32, #tpu.memory_space<vmem>> -> memref<64xi32, #tpu.memory_space<vmem>>
        %dma_wait3A_414 = arith.constant 0 : i32
        %dma_wait3A_415 = arith.constant 0 : i32
        %dma_wait3A_416 = tpu.memref_slice %arg15[%dma_wait3A_414, %dma_wait3A_415] : memref<10240x128xf32, #tpu.memory_space<vmem_shared>> -> memref<10240x128xf32, #tpu.memory_space<vmem_shared>>
        tpu.wait_indirect_dma semaphore(%run_scoped3A_404 : memref<!tpu.dma_semaphore, #tpu.memory_space<semaphore_mem>>) src(%arg11 : memref<64x128xf32, #tpu.memory_space<vmem>>) dst(%dma_wait3A_416 : memref<10240x128xf32, #tpu.memory_space<vmem_shared>>)
        tpu.yield
      }) : () -> ()
      %add3A_162 = arith.constant 4 : i32
      %add3A_163 = arith.addi %add3A_153, %add3A_162 : i32
      %lt3A_164 = arith.constant 160 : i32
      %lt3A_165 = arith.cmpi slt, %add3A_163, %lt3A_164 : i32
      %convert_element_type3A_166 = arith.extui %lt3A_165 : i1 to i32
      %cond3A_167 = arith.constant 0 : i32
      %cond3A_168 = arith.cmpi ne, %convert_element_type3A_166, %cond3A_167 : i32
      scf.if %cond3A_168 {
        %add3A_404 = arith.constant 1 : i32
        %add3A_405 = arith.addi %add3A_70, %add3A_404 : i32
        %mul3A_406 = arith.constant 8 : i32
        %mul3A_407 = arith.muli %add3A_405, %mul3A_406 : i32
        %dma_wait3A_408 = arith.constant 0 : i32
        %dma_wait3A_409 = tpu.memref_slice %arg3[%add3A, %mul3A_407, %dma_wait3A_408] : memref<32x160x64xi32, #tpu.memory_space<hbm>> -> memref<1x8x64xi32, #tpu.memory_space<hbm>>
        %dma_wait3A_410 = tpu.memref_squeeze %dma_wait3A_409 : memref<1x8x64xi32, #tpu.memory_space<hbm>> -> memref<8x64xi32, #tpu.memory_space<hbm>>
        %dma_wait3A_411 = arith.constant 0 : i32
        %dma_wait3A_412 = tpu.memref_slice %arg3[%add3A, %mul3A_407, %dma_wait3A_411] : memref<32x160x64xi32, #tpu.memory_space<hbm>> -> memref<1x8x64xi32, #tpu.memory_space<hbm>>
        %dma_wait3A_413 = tpu.memref_squeeze %dma_wait3A_412 : memref<1x8x64xi32, #tpu.memory_space<hbm>> -> memref<8x64xi32, #tpu.memory_space<hbm>>
        tpu.wait_dma2 semaphore(%arg21 : memref<!tpu.dma_semaphore, #tpu.memory_space<semaphore_mem>>) src(%dma_wait3A_413 : memref<8x64xi32, #tpu.memory_space<hbm>>) dst(%arg8 : memref<8x64xi32, #tpu.memory_space<vmem>>)
        %dma_start3A_414 = arith.constant 0 : i32
        %dma_start3A_415 = arith.constant 0 : i32
        %dma_start3A_416 = tpu.memref_slice %arg8[%dma_start3A_414, %dma_start3A_415] : memref<8x64xi32, #tpu.memory_space<vmem>> -> memref<1x64xi32, #tpu.memory_space<vmem>>
        %dma_start3A_417 = tpu.memref_squeeze %dma_start3A_416 : memref<1x64xi32, #tpu.memory_space<vmem>> -> memref<64xi32, #tpu.memory_space<vmem>>
        %dma_start3A_418 = arith.constant 0 : i32
        %dma_start3A_419 = arith.constant 0 : i32
        %dma_start3A_420 = tpu.memref_slice %arg2[%dma_start3A_418, %dma_start3A_419] : memref<10000x128xf32, #tpu.memory_space<hbm>> -> memref<10000x128xf32, #tpu.memory_space<hbm>>
        tpu.enqueue_indirect_dma source(%dma_start3A_420 : memref<10000x128xf32, #tpu.memory_space<hbm>>) target(%arg11 : memref<64x128xf32, #tpu.memory_space<vmem>>) offsets(%dma_start3A_417 : memref<64xi32, #tpu.memory_space<vmem>>) semaphore(%arg16 : memref<!tpu.dma_semaphore, #tpu.memory_space<semaphore_mem>>)
      } else {
      }
      %mul3A_169 = arith.constant 8 : i32
      %mul3A_170 = arith.muli %add3A_70, %mul3A_169 : i32
      %add3A_171 = arith.constant 5 : i32
      %add3A_172 = arith.addi %mul3A_170, %add3A_171 : i32
      %dma_wait3A_173 = arith.constant 5 : i32
      %dma_wait3A_174 = arith.constant 0 : i32
      %dma_wait3A_175 = tpu.memref_slice %arg7[%dma_wait3A_173, %dma_wait3A_174] : memref<8x64xi32, #tpu.memory_space<vmem>> -> memref<1x64xi32, #tpu.memory_space<vmem>>
      %dma_wait3A_176 = tpu.memref_squeeze %dma_wait3A_175 : memref<1x64xi32, #tpu.memory_space<vmem>> -> memref<64xi32, #tpu.memory_space<vmem>>
      %dma_wait3A_177 = arith.constant 0 : i32
      %dma_wait3A_178 = arith.constant 0 : i32
      %dma_wait3A_179 = tpu.memref_slice %arg2[%dma_wait3A_177, %dma_wait3A_178] : memref<10000x128xf32, #tpu.memory_space<hbm>> -> memref<10000x128xf32, #tpu.memory_space<hbm>>
      tpu.wait_indirect_dma semaphore(%arg17 : memref<!tpu.dma_semaphore, #tpu.memory_space<semaphore_mem>>) src(%dma_wait3A_179 : memref<10000x128xf32, #tpu.memory_space<hbm>>) dst(%arg12 : memref<64x128xf32, #tpu.memory_space<vmem>>)
      %run_scoped3A_180 = arith.constant 5 : i32
      "tpu.region"() ({
        %run_scoped3A_404 = tpu.sem_alloc : memref<!tpu.dma_semaphore, #tpu.memory_space<semaphore_mem>>
        %dma_start3A_405 = arith.constant 0 : i32
        %dma_start3A_406 = tpu.memref_slice %arg9[%run_scoped3A_180, %dma_start3A_405] : memref<8x64xi32, #tpu.memory_space<vmem>> -> memref<1x64xi32, #tpu.memory_space<vmem>>
        %dma_start3A_407 = tpu.memref_squeeze %dma_start3A_406 : memref<1x64xi32, #tpu.memory_space<vmem>> -> memref<64xi32, #tpu.memory_space<vmem>>
        %dma_start3A_408 = arith.constant 0 : i32
        %dma_start3A_409 = arith.constant 0 : i32
        %dma_start3A_410 = tpu.memref_slice %arg15[%dma_start3A_408, %dma_start3A_409] : memref<10240x128xf32, #tpu.memory_space<vmem_shared>> -> memref<10240x128xf32, #tpu.memory_space<vmem_shared>>
        tpu.enqueue_indirect_dma source(%arg12 : memref<64x128xf32, #tpu.memory_space<vmem>>) target(%dma_start3A_410 : memref<10240x128xf32, #tpu.memory_space<vmem_shared>>) offsets(%dma_start3A_407 : memref<64xi32, #tpu.memory_space<vmem>>) semaphore(%run_scoped3A_404 : memref<!tpu.dma_semaphore, #tpu.memory_space<semaphore_mem>>) {add = true}
        %dma_wait3A_411 = arith.constant 0 : i32
        %dma_wait3A_412 = tpu.memref_slice %arg9[%run_scoped3A_180, %dma_wait3A_411] : memref<8x64xi32, #tpu.memory_space<vmem>> -> memref<1x64xi32, #tpu.memory_space<vmem>>
        %dma_wait3A_413 = tpu.memref_squeeze %dma_wait3A_412 : memref<1x64xi32, #tpu.memory_space<vmem>> -> memref<64xi32, #tpu.memory_space<vmem>>
        %dma_wait3A_414 = arith.constant 0 : i32
        %dma_wait3A_415 = arith.constant 0 : i32
        %dma_wait3A_416 = tpu.memref_slice %arg15[%dma_wait3A_414, %dma_wait3A_415] : memref<10240x128xf32, #tpu.memory_space<vmem_shared>> -> memref<10240x128xf32, #tpu.memory_space<vmem_shared>>
        tpu.wait_indirect_dma semaphore(%run_scoped3A_404 : memref<!tpu.dma_semaphore, #tpu.memory_space<semaphore_mem>>) src(%arg12 : memref<64x128xf32, #tpu.memory_space<vmem>>) dst(%dma_wait3A_416 : memref<10240x128xf32, #tpu.memory_space<vmem_shared>>)
        tpu.yield
      }) : () -> ()
      %add3A_181 = arith.constant 4 : i32
      %add3A_182 = arith.addi %add3A_172, %add3A_181 : i32
      %lt3A_183 = arith.constant 160 : i32
      %lt3A_184 = arith.cmpi slt, %add3A_182, %lt3A_183 : i32
      %convert_element_type3A_185 = arith.extui %lt3A_184 : i1 to i32
      %cond3A_186 = arith.constant 0 : i32
      %cond3A_187 = arith.cmpi ne, %convert_element_type3A_185, %cond3A_186 : i32
      scf.if %cond3A_187 {
        %dma_start3A_404 = arith.constant 1 : i32
        %dma_start3A_405 = arith.constant 0 : i32
        %dma_start3A_406 = tpu.memref_slice %arg8[%dma_start3A_404, %dma_start3A_405] : memref<8x64xi32, #tpu.memory_space<vmem>> -> memref<1x64xi32, #tpu.memory_space<vmem>>
        %dma_start3A_407 = tpu.memref_squeeze %dma_start3A_406 : memref<1x64xi32, #tpu.memory_space<vmem>> -> memref<64xi32, #tpu.memory_space<vmem>>
        %dma_start3A_408 = arith.constant 0 : i32
        %dma_start3A_409 = arith.constant 0 : i32
        %dma_start3A_410 = tpu.memref_slice %arg2[%dma_start3A_408, %dma_start3A_409] : memref<10000x128xf32, #tpu.memory_space<hbm>> -> memref<10000x128xf32, #tpu.memory_space<hbm>>
        tpu.enqueue_indirect_dma source(%dma_start3A_410 : memref<10000x128xf32, #tpu.memory_space<hbm>>) target(%arg12 : memref<64x128xf32, #tpu.memory_space<vmem>>) offsets(%dma_start3A_407 : memref<64xi32, #tpu.memory_space<vmem>>) semaphore(%arg17 : memref<!tpu.dma_semaphore, #tpu.memory_space<semaphore_mem>>)
      } else {
      }
      %mul3A_188 = arith.constant 8 : i32
      %mul3A_189 = arith.muli %add3A_70, %mul3A_188 : i32
      %add3A_190 = arith.constant 6 : i32
      %add3A_191 = arith.addi %mul3A_189, %add3A_190 : i32
      %dma_wait3A_192 = arith.constant 6 : i32
      %dma_wait3A_193 = arith.constant 0 : i32
      %dma_wait3A_194 = tpu.memref_slice %arg7[%dma_wait3A_192, %dma_wait3A_193] : memref<8x64xi32, #tpu.memory_space<vmem>> -> memref<1x64xi32, #tpu.memory_space<vmem>>
      %dma_wait3A_195 = tpu.memref_squeeze %dma_wait3A_194 : memref<1x64xi32, #tpu.memory_space<vmem>> -> memref<64xi32, #tpu.memory_space<vmem>>
      %dma_wait3A_196 = arith.constant 0 : i32
      %dma_wait3A_197 = arith.constant 0 : i32
      %dma_wait3A_198 = tpu.memref_slice %arg2[%dma_wait3A_196, %dma_wait3A_197] : memref<10000x128xf32, #tpu.memory_space<hbm>> -> memref<10000x128xf32, #tpu.memory_space<hbm>>
      tpu.wait_indirect_dma semaphore(%arg18 : memref<!tpu.dma_semaphore, #tpu.memory_space<semaphore_mem>>) src(%dma_wait3A_198 : memref<10000x128xf32, #tpu.memory_space<hbm>>) dst(%arg13 : memref<64x128xf32, #tpu.memory_space<vmem>>)
      %run_scoped3A_199 = arith.constant 6 : i32
      "tpu.region"() ({
        %run_scoped3A_404 = tpu.sem_alloc : memref<!tpu.dma_semaphore, #tpu.memory_space<semaphore_mem>>
        %dma_start3A_405 = arith.constant 0 : i32
        %dma_start3A_406 = tpu.memref_slice %arg9[%run_scoped3A_199, %dma_start3A_405] : memref<8x64xi32, #tpu.memory_space<vmem>> -> memref<1x64xi32, #tpu.memory_space<vmem>>
        %dma_start3A_407 = tpu.memref_squeeze %dma_start3A_406 : memref<1x64xi32, #tpu.memory_space<vmem>> -> memref<64xi32, #tpu.memory_space<vmem>>
        %dma_start3A_408 = arith.constant 0 : i32
        %dma_start3A_409 = arith.constant 0 : i32
        %dma_start3A_410 = tpu.memref_slice %arg15[%dma_start3A_408, %dma_start3A_409] : memref<10240x128xf32, #tpu.memory_space<vmem_shared>> -> memref<10240x128xf32, #tpu.memory_space<vmem_shared>>
        tpu.enqueue_indirect_dma source(%arg13 : memref<64x128xf32, #tpu.memory_space<vmem>>) target(%dma_start3A_410 : memref<10240x128xf32, #tpu.memory_space<vmem_shared>>) offsets(%dma_start3A_407 : memref<64xi32, #tpu.memory_space<vmem>>) semaphore(%run_scoped3A_404 : memref<!tpu.dma_semaphore, #tpu.memory_space<semaphore_mem>>) {add = true}
        %dma_wait3A_411 = arith.constant 0 : i32
        %dma_wait3A_412 = tpu.memref_slice %arg9[%run_scoped3A_199, %dma_wait3A_411] : memref<8x64xi32, #tpu.memory_space<vmem>> -> memref<1x64xi32, #tpu.memory_space<vmem>>
        %dma_wait3A_413 = tpu.memref_squeeze %dma_wait3A_412 : memref<1x64xi32, #tpu.memory_space<vmem>> -> memref<64xi32, #tpu.memory_space<vmem>>
        %dma_wait3A_414 = arith.constant 0 : i32
        %dma_wait3A_415 = arith.constant 0 : i32
        %dma_wait3A_416 = tpu.memref_slice %arg15[%dma_wait3A_414, %dma_wait3A_415] : memref<10240x128xf32, #tpu.memory_space<vmem_shared>> -> memref<10240x128xf32, #tpu.memory_space<vmem_shared>>
        tpu.wait_indirect_dma semaphore(%run_scoped3A_404 : memref<!tpu.dma_semaphore, #tpu.memory_space<semaphore_mem>>) src(%arg13 : memref<64x128xf32, #tpu.memory_space<vmem>>) dst(%dma_wait3A_416 : memref<10240x128xf32, #tpu.memory_space<vmem_shared>>)
        tpu.yield
      }) : () -> ()
      %add3A_200 = arith.constant 4 : i32
      %add3A_201 = arith.addi %add3A_191, %add3A_200 : i32
      %lt3A_202 = arith.constant 160 : i32
      %lt3A_203 = arith.cmpi slt, %add3A_201, %lt3A_202 : i32
      %convert_element_type3A_204 = arith.extui %lt3A_203 : i1 to i32
      %cond3A_205 = arith.constant 0 : i32
      %cond3A_206 = arith.cmpi ne, %convert_element_type3A_204, %cond3A_205 : i32
      scf.if %cond3A_206 {
        %dma_start3A_404 = arith.constant 2 : i32
        %dma_start3A_405 = arith.constant 0 : i32
        %dma_start3A_406 = tpu.memref_slice %arg8[%dma_start3A_404, %dma_start3A_405] : memref<8x64xi32, #tpu.memory_space<vmem>> -> memref<1x64xi32, #tpu.memory_space<vmem>>
        %dma_start3A_407 = tpu.memref_squeeze %dma_start3A_406 : memref<1x64xi32, #tpu.memory_space<vmem>> -> memref<64xi32, #tpu.memory_space<vmem>>
        %dma_start3A_408 = arith.constant 0 : i32
        %dma_start3A_409 = arith.constant 0 : i32
        %dma_start3A_410 = tpu.memref_slice %arg2[%dma_start3A_408, %dma_start3A_409] : memref<10000x128xf32, #tpu.memory_space<hbm>> -> memref<10000x128xf32, #tpu.memory_space<hbm>>
        tpu.enqueue_indirect_dma source(%dma_start3A_410 : memref<10000x128xf32, #tpu.memory_space<hbm>>) target(%arg13 : memref<64x128xf32, #tpu.memory_space<vmem>>) offsets(%dma_start3A_407 : memref<64xi32, #tpu.memory_space<vmem>>) semaphore(%arg18 : memref<!tpu.dma_semaphore, #tpu.memory_space<semaphore_mem>>)
      } else {
      }
      %mul3A_207 = arith.constant 8 : i32
      %mul3A_208 = arith.muli %add3A_70, %mul3A_207 : i32
      %add3A_209 = arith.constant 7 : i32
      %add3A_210 = arith.addi %mul3A_208, %add3A_209 : i32
      %dma_wait3A_211 = arith.constant 7 : i32
      %dma_wait3A_212 = arith.constant 0 : i32
      %dma_wait3A_213 = tpu.memref_slice %arg7[%dma_wait3A_211, %dma_wait3A_212] : memref<8x64xi32, #tpu.memory_space<vmem>> -> memref<1x64xi32, #tpu.memory_space<vmem>>
      %dma_wait3A_214 = tpu.memref_squeeze %dma_wait3A_213 : memref<1x64xi32, #tpu.memory_space<vmem>> -> memref<64xi32, #tpu.memory_space<vmem>>
      %dma_wait3A_215 = arith.constant 0 : i32
      %dma_wait3A_216 = arith.constant 0 : i32
      %dma_wait3A_217 = tpu.memref_slice %arg2[%dma_wait3A_215, %dma_wait3A_216] : memref<10000x128xf32, #tpu.memory_space<hbm>> -> memref<10000x128xf32, #tpu.memory_space<hbm>>
      tpu.wait_indirect_dma semaphore(%arg19 : memref<!tpu.dma_semaphore, #tpu.memory_space<semaphore_mem>>) src(%dma_wait3A_217 : memref<10000x128xf32, #tpu.memory_space<hbm>>) dst(%arg14 : memref<64x128xf32, #tpu.memory_space<vmem>>)
      %run_scoped3A_218 = arith.constant 7 : i32
      "tpu.region"() ({
        %run_scoped3A_404 = tpu.sem_alloc : memref<!tpu.dma_semaphore, #tpu.memory_space<semaphore_mem>>
        %dma_start3A_405 = arith.constant 0 : i32
        %dma_start3A_406 = tpu.memref_slice %arg9[%run_scoped3A_218, %dma_start3A_405] : memref<8x64xi32, #tpu.memory_space<vmem>> -> memref<1x64xi32, #tpu.memory_space<vmem>>
        %dma_start3A_407 = tpu.memref_squeeze %dma_start3A_406 : memref<1x64xi32, #tpu.memory_space<vmem>> -> memref<64xi32, #tpu.memory_space<vmem>>
        %dma_start3A_408 = arith.constant 0 : i32
        %dma_start3A_409 = arith.constant 0 : i32
        %dma_start3A_410 = tpu.memref_slice %arg15[%dma_start3A_408, %dma_start3A_409] : memref<10240x128xf32, #tpu.memory_space<vmem_shared>> -> memref<10240x128xf32, #tpu.memory_space<vmem_shared>>
        tpu.enqueue_indirect_dma source(%arg14 : memref<64x128xf32, #tpu.memory_space<vmem>>) target(%dma_start3A_410 : memref<10240x128xf32, #tpu.memory_space<vmem_shared>>) offsets(%dma_start3A_407 : memref<64xi32, #tpu.memory_space<vmem>>) semaphore(%run_scoped3A_404 : memref<!tpu.dma_semaphore, #tpu.memory_space<semaphore_mem>>) {add = true}
        %dma_wait3A_411 = arith.constant 0 : i32
        %dma_wait3A_412 = tpu.memref_slice %arg9[%run_scoped3A_218, %dma_wait3A_411] : memref<8x64xi32, #tpu.memory_space<vmem>> -> memref<1x64xi32, #tpu.memory_space<vmem>>
        %dma_wait3A_413 = tpu.memref_squeeze %dma_wait3A_412 : memref<1x64xi32, #tpu.memory_space<vmem>> -> memref<64xi32, #tpu.memory_space<vmem>>
        %dma_wait3A_414 = arith.constant 0 : i32
        %dma_wait3A_415 = arith.constant 0 : i32
        %dma_wait3A_416 = tpu.memref_slice %arg15[%dma_wait3A_414, %dma_wait3A_415] : memref<10240x128xf32, #tpu.memory_space<vmem_shared>> -> memref<10240x128xf32, #tpu.memory_space<vmem_shared>>
        tpu.wait_indirect_dma semaphore(%run_scoped3A_404 : memref<!tpu.dma_semaphore, #tpu.memory_space<semaphore_mem>>) src(%arg14 : memref<64x128xf32, #tpu.memory_space<vmem>>) dst(%dma_wait3A_416 : memref<10240x128xf32, #tpu.memory_space<vmem_shared>>)
        tpu.yield
      }) : () -> ()
      %add3A_219 = arith.constant 4 : i32
      %add3A_220 = arith.addi %add3A_210, %add3A_219 : i32
      %lt3A_221 = arith.constant 160 : i32
      %lt3A_222 = arith.cmpi slt, %add3A_220, %lt3A_221 : i32
      %convert_element_type3A_223 = arith.extui %lt3A_222 : i1 to i32
      %cond3A_224 = arith.constant 0 : i32
      %cond3A_225 = arith.cmpi ne, %convert_element_type3A_223, %cond3A_224 : i32
      scf.if %cond3A_225 {
        %dma_start3A_404 = arith.constant 3 : i32
        %dma_start3A_405 = arith.constant 0 : i32
        %dma_start3A_406 = tpu.memref_slice %arg8[%dma_start3A_404, %dma_start3A_405] : memref<8x64xi32, #tpu.memory_space<vmem>> -> memref<1x64xi32, #tpu.memory_space<vmem>>
        %dma_start3A_407 = tpu.memref_squeeze %dma_start3A_406 : memref<1x64xi32, #tpu.memory_space<vmem>> -> memref<64xi32, #tpu.memory_space<vmem>>
        %dma_start3A_408 = arith.constant 0 : i32
        %dma_start3A_409 = arith.constant 0 : i32
        %dma_start3A_410 = tpu.memref_slice %arg2[%dma_start3A_408, %dma_start3A_409] : memref<10000x128xf32, #tpu.memory_space<hbm>> -> memref<10000x128xf32, #tpu.memory_space<hbm>>
        tpu.enqueue_indirect_dma source(%dma_start3A_410 : memref<10000x128xf32, #tpu.memory_space<hbm>>) target(%arg14 : memref<64x128xf32, #tpu.memory_space<vmem>>) offsets(%dma_start3A_407 : memref<64xi32, #tpu.memory_space<vmem>>) semaphore(%arg19 : memref<!tpu.dma_semaphore, #tpu.memory_space<semaphore_mem>>)
      } else {
      }
      %add3A_226 = arith.constant 2 : i32
      %add3A_227 = arith.addi %add3A_70, %add3A_226 : i32
      %lt3A_228 = arith.constant 20 : i32
      %lt3A_229 = arith.cmpi slt, %add3A_227, %lt3A_228 : i32
      %convert_element_type3A_230 = arith.extui %lt3A_229 : i1 to i32
      %cond3A_231 = arith.constant 0 : i32
      %cond3A_232 = arith.cmpi ne, %convert_element_type3A_230, %cond3A_231 : i32
      scf.if %cond3A_232 {
        %add3A_404 = arith.constant 2 : i32
        %add3A_405 = arith.addi %add3A_70, %add3A_404 : i32
        %mul3A_406 = arith.constant 8 : i32
        %mul3A_407 = arith.muli %add3A_405, %mul3A_406 : i32
        %dma_start3A_408 = arith.constant 0 : i32
        %dma_start3A_409 = tpu.memref_slice %arg3[%add3A, %mul3A_407, %dma_start3A_408] : memref<32x160x64xi32, #tpu.memory_space<hbm>> -> memref<1x8x64xi32, #tpu.memory_space<hbm>>
        %dma_start3A_410 = tpu.memref_squeeze %dma_start3A_409 : memref<1x8x64xi32, #tpu.memory_space<hbm>> -> memref<8x64xi32, #tpu.memory_space<hbm>>
        %dma_start3A_411 = arith.constant 0 : i32
        %dma_start3A_412 = tpu.memref_slice %arg3[%add3A, %mul3A_407, %dma_start3A_411] : memref<32x160x64xi32, #tpu.memory_space<hbm>> -> memref<1x8x64xi32, #tpu.memory_space<hbm>>
        %dma_start3A_413 = tpu.memref_squeeze %dma_start3A_412 : memref<1x8x64xi32, #tpu.memory_space<hbm>> -> memref<8x64xi32, #tpu.memory_space<hbm>>
        tpu.enqueue_dma source(%dma_start3A_413 : memref<8x64xi32, #tpu.memory_space<hbm>>) target(%arg7 : memref<8x64xi32, #tpu.memory_space<vmem>>) target_semaphore(%arg20 : memref<!tpu.dma_semaphore, #tpu.memory_space<semaphore_mem>>)
        %add3A_414 = arith.constant 2 : i32
        %add3A_415 = arith.addi %add3A_70, %add3A_414 : i32
        %mul3A_416 = arith.constant 8 : i32
        %mul3A_417 = arith.muli %add3A_415, %mul3A_416 : i32
        %dma_start3A_418 = arith.constant 0 : i32
        %dma_start3A_419 = tpu.memref_slice %arg4[%add3A, %mul3A_417, %dma_start3A_418] : memref<32x160x64xi32, #tpu.memory_space<hbm>> -> memref<1x8x64xi32, #tpu.memory_space<hbm>>
        %dma_start3A_420 = tpu.memref_squeeze %dma_start3A_419 : memref<1x8x64xi32, #tpu.memory_space<hbm>> -> memref<8x64xi32, #tpu.memory_space<hbm>>
        %dma_start3A_421 = arith.constant 0 : i32
        %dma_start3A_422 = tpu.memref_slice %arg4[%add3A, %mul3A_417, %dma_start3A_421] : memref<32x160x64xi32, #tpu.memory_space<hbm>> -> memref<1x8x64xi32, #tpu.memory_space<hbm>>
        %dma_start3A_423 = tpu.memref_squeeze %dma_start3A_422 : memref<1x8x64xi32, #tpu.memory_space<hbm>> -> memref<8x64xi32, #tpu.memory_space<hbm>>
        tpu.enqueue_dma source(%dma_start3A_423 : memref<8x64xi32, #tpu.memory_space<hbm>>) target(%arg9 : memref<8x64xi32, #tpu.memory_space<vmem>>) target_semaphore(%arg22 : memref<!tpu.dma_semaphore, #tpu.memory_space<semaphore_mem>>)
      } else {
      }
      %mul3A_233 = arith.constant 2 : i32
      %mul3A_234 = arith.muli %mul3A_233, %scan3A_66 : i32
      %add3A_235 = arith.constant 1 : i32
      %add3A_236 = arith.addi %mul3A_234, %add3A_235 : i32
      %mul3A_237 = arith.constant 8 : i32
      %mul3A_238 = arith.muli %add3A_236, %mul3A_237 : i32
      %dma_wait3A_239 = arith.constant 0 : i32
      %dma_wait3A_240 = tpu.memref_slice %arg4[%add3A, %mul3A_238, %dma_wait3A_239] : memref<32x160x64xi32, #tpu.memory_space<hbm>> -> memref<1x8x64xi32, #tpu.memory_space<hbm>>
      %dma_wait3A_241 = tpu.memref_squeeze %dma_wait3A_240 : memref<1x8x64xi32, #tpu.memory_space<hbm>> -> memref<8x64xi32, #tpu.memory_space<hbm>>
      %dma_wait3A_242 = arith.constant 0 : i32
      %dma_wait3A_243 = tpu.memref_slice %arg4[%add3A, %mul3A_238, %dma_wait3A_242] : memref<32x160x64xi32, #tpu.memory_space<hbm>> -> memref<1x8x64xi32, #tpu.memory_space<hbm>>
      %dma_wait3A_244 = tpu.memref_squeeze %dma_wait3A_243 : memref<1x8x64xi32, #tpu.memory_space<hbm>> -> memref<8x64xi32, #tpu.memory_space<hbm>>
      tpu.wait_dma2 semaphore(%arg23 : memref<!tpu.dma_semaphore, #tpu.memory_space<semaphore_mem>>) src(%dma_wait3A_244 : memref<8x64xi32, #tpu.memory_space<hbm>>) dst(%arg10 : memref<8x64xi32, #tpu.memory_space<vmem>>)
      %mul3A_245 = arith.constant 8 : i32
      %mul3A_246 = arith.muli %add3A_236, %mul3A_245 : i32
      %add3A_247 = arith.constant 0 : i32
      %add3A_248 = arith.addi %mul3A_246, %add3A_247 : i32
      %dma_wait3A_249 = arith.constant 0 : i32
      %dma_wait3A_250 = arith.constant 0 : i32
      %dma_wait3A_251 = tpu.memref_slice %arg8[%dma_wait3A_249, %dma_wait3A_250] : memref<8x64xi32, #tpu.memory_space<vmem>> -> memref<1x64xi32, #tpu.memory_space<vmem>>
      %dma_wait3A_252 = tpu.memref_squeeze %dma_wait3A_251 : memref<1x64xi32, #tpu.memory_space<vmem>> -> memref<64xi32, #tpu.memory_space<vmem>>
      %dma_wait3A_253 = arith.constant 0 : i32
      %dma_wait3A_254 = arith.constant 0 : i32
      %dma_wait3A_255 = tpu.memref_slice %arg2[%dma_wait3A_253, %dma_wait3A_254] : memref<10000x128xf32, #tpu.memory_space<hbm>> -> memref<10000x128xf32, #tpu.memory_space<hbm>>
      tpu.wait_indirect_dma semaphore(%arg16 : memref<!tpu.dma_semaphore, #tpu.memory_space<semaphore_mem>>) src(%dma_wait3A_255 : memref<10000x128xf32, #tpu.memory_space<hbm>>) dst(%arg11 : memref<64x128xf32, #tpu.memory_space<vmem>>)
      %run_scoped3A_256 = arith.constant 0 : i32
      "tpu.region"() ({
        %run_scoped3A_404 = tpu.sem_alloc : memref<!tpu.dma_semaphore, #tpu.memory_space<semaphore_mem>>
        %dma_start3A_405 = arith.constant 0 : i32
        %dma_start3A_406 = tpu.memref_slice %arg10[%run_scoped3A_256, %dma_start3A_405] : memref<8x64xi32, #tpu.memory_space<vmem>> -> memref<1x64xi32, #tpu.memory_space<vmem>>
        %dma_start3A_407 = tpu.memref_squeeze %dma_start3A_406 : memref<1x64xi32, #tpu.memory_space<vmem>> -> memref<64xi32, #tpu.memory_space<vmem>>
        %dma_start3A_408 = arith.constant 0 : i32
        %dma_start3A_409 = arith.constant 0 : i32
        %dma_start3A_410 = tpu.memref_slice %arg15[%dma_start3A_408, %dma_start3A_409] : memref<10240x128xf32, #tpu.memory_space<vmem_shared>> -> memref<10240x128xf32, #tpu.memory_space<vmem_shared>>
        tpu.enqueue_indirect_dma source(%arg11 : memref<64x128xf32, #tpu.memory_space<vmem>>) target(%dma_start3A_410 : memref<10240x128xf32, #tpu.memory_space<vmem_shared>>) offsets(%dma_start3A_407 : memref<64xi32, #tpu.memory_space<vmem>>) semaphore(%run_scoped3A_404 : memref<!tpu.dma_semaphore, #tpu.memory_space<semaphore_mem>>) {add = true}
        %dma_wait3A_411 = arith.constant 0 : i32
        %dma_wait3A_412 = tpu.memref_slice %arg10[%run_scoped3A_256, %dma_wait3A_411] : memref<8x64xi32, #tpu.memory_space<vmem>> -> memref<1x64xi32, #tpu.memory_space<vmem>>
        %dma_wait3A_413 = tpu.memref_squeeze %dma_wait3A_412 : memref<1x64xi32, #tpu.memory_space<vmem>> -> memref<64xi32, #tpu.memory_space<vmem>>
        %dma_wait3A_414 = arith.constant 0 : i32
        %dma_wait3A_415 = arith.constant 0 : i32
        %dma_wait3A_416 = tpu.memref_slice %arg15[%dma_wait3A_414, %dma_wait3A_415] : memref<10240x128xf32, #tpu.memory_space<vmem_shared>> -> memref<10240x128xf32, #tpu.memory_space<vmem_shared>>
        tpu.wait_indirect_dma semaphore(%run_scoped3A_404 : memref<!tpu.dma_semaphore, #tpu.memory_space<semaphore_mem>>) src(%arg11 : memref<64x128xf32, #tpu.memory_space<vmem>>) dst(%dma_wait3A_416 : memref<10240x128xf32, #tpu.memory_space<vmem_shared>>)
        tpu.yield
      }) : () -> ()
      %add3A_257 = arith.constant 4 : i32
      %add3A_258 = arith.addi %add3A_248, %add3A_257 : i32
      %lt3A_259 = arith.constant 160 : i32
      %lt3A_260 = arith.cmpi slt, %add3A_258, %lt3A_259 : i32
      %convert_element_type3A_261 = arith.extui %lt3A_260 : i1 to i32
      %cond3A_262 = arith.constant 0 : i32
      %cond3A_263 = arith.cmpi ne, %convert_element_type3A_261, %cond3A_262 : i32
      scf.if %cond3A_263 {
        %dma_start3A_404 = arith.constant 4 : i32
        %dma_start3A_405 = arith.constant 0 : i32
        %dma_start3A_406 = tpu.memref_slice %arg8[%dma_start3A_404, %dma_start3A_405] : memref<8x64xi32, #tpu.memory_space<vmem>> -> memref<1x64xi32, #tpu.memory_space<vmem>>
        %dma_start3A_407 = tpu.memref_squeeze %dma_start3A_406 : memref<1x64xi32, #tpu.memory_space<vmem>> -> memref<64xi32, #tpu.memory_space<vmem>>
        %dma_start3A_408 = arith.constant 0 : i32
        %dma_start3A_409 = arith.constant 0 : i32
        %dma_start3A_410 = tpu.memref_slice %arg2[%dma_start3A_408, %dma_start3A_409] : memref<10000x128xf32, #tpu.memory_space<hbm>> -> memref<10000x128xf32, #tpu.memory_space<hbm>>
        tpu.enqueue_indirect_dma source(%dma_start3A_410 : memref<10000x128xf32, #tpu.memory_space<hbm>>) target(%arg11 : memref<64x128xf32, #tpu.memory_space<vmem>>) offsets(%dma_start3A_407 : memref<64xi32, #tpu.memory_space<vmem>>) semaphore(%arg16 : memref<!tpu.dma_semaphore, #tpu.memory_space<semaphore_mem>>)
      } else {
      }
      %mul3A_264 = arith.constant 8 : i32
      %mul3A_265 = arith.muli %add3A_236, %mul3A_264 : i32
      %add3A_266 = arith.constant 1 : i32
      %add3A_267 = arith.addi %mul3A_265, %add3A_266 : i32
      %dma_wait3A_268 = arith.constant 1 : i32
      %dma_wait3A_269 = arith.constant 0 : i32
      %dma_wait3A_270 = tpu.memref_slice %arg8[%dma_wait3A_268, %dma_wait3A_269] : memref<8x64xi32, #tpu.memory_space<vmem>> -> memref<1x64xi32, #tpu.memory_space<vmem>>
      %dma_wait3A_271 = tpu.memref_squeeze %dma_wait3A_270 : memref<1x64xi32, #tpu.memory_space<vmem>> -> memref<64xi32, #tpu.memory_space<vmem>>
      %dma_wait3A_272 = arith.constant 0 : i32
      %dma_wait3A_273 = arith.constant 0 : i32
      %dma_wait3A_274 = tpu.memref_slice %arg2[%dma_wait3A_272, %dma_wait3A_273] : memref<10000x128xf32, #tpu.memory_space<hbm>> -> memref<10000x128xf32, #tpu.memory_space<hbm>>
      tpu.wait_indirect_dma semaphore(%arg17 : memref<!tpu.dma_semaphore, #tpu.memory_space<semaphore_mem>>) src(%dma_wait3A_274 : memref<10000x128xf32, #tpu.memory_space<hbm>>) dst(%arg12 : memref<64x128xf32, #tpu.memory_space<vmem>>)
      %run_scoped3A_275 = arith.constant 1 : i32
      "tpu.region"() ({
        %run_scoped3A_404 = tpu.sem_alloc : memref<!tpu.dma_semaphore, #tpu.memory_space<semaphore_mem>>
        %dma_start3A_405 = arith.constant 0 : i32
        %dma_start3A_406 = tpu.memref_slice %arg10[%run_scoped3A_275, %dma_start3A_405] : memref<8x64xi32, #tpu.memory_space<vmem>> -> memref<1x64xi32, #tpu.memory_space<vmem>>
        %dma_start3A_407 = tpu.memref_squeeze %dma_start3A_406 : memref<1x64xi32, #tpu.memory_space<vmem>> -> memref<64xi32, #tpu.memory_space<vmem>>
        %dma_start3A_408 = arith.constant 0 : i32
        %dma_start3A_409 = arith.constant 0 : i32
        %dma_start3A_410 = tpu.memref_slice %arg15[%dma_start3A_408, %dma_start3A_409] : memref<10240x128xf32, #tpu.memory_space<vmem_shared>> -> memref<10240x128xf32, #tpu.memory_space<vmem_shared>>
        tpu.enqueue_indirect_dma source(%arg12 : memref<64x128xf32, #tpu.memory_space<vmem>>) target(%dma_start3A_410 : memref<10240x128xf32, #tpu.memory_space<vmem_shared>>) offsets(%dma_start3A_407 : memref<64xi32, #tpu.memory_space<vmem>>) semaphore(%run_scoped3A_404 : memref<!tpu.dma_semaphore, #tpu.memory_space<semaphore_mem>>) {add = true}
        %dma_wait3A_411 = arith.constant 0 : i32
        %dma_wait3A_412 = tpu.memref_slice %arg10[%run_scoped3A_275, %dma_wait3A_411] : memref<8x64xi32, #tpu.memory_space<vmem>> -> memref<1x64xi32, #tpu.memory_space<vmem>>
        %dma_wait3A_413 = tpu.memref_squeeze %dma_wait3A_412 : memref<1x64xi32, #tpu.memory_space<vmem>> -> memref<64xi32, #tpu.memory_space<vmem>>
        %dma_wait3A_414 = arith.constant 0 : i32
        %dma_wait3A_415 = arith.constant 0 : i32
        %dma_wait3A_416 = tpu.memref_slice %arg15[%dma_wait3A_414, %dma_wait3A_415] : memref<10240x128xf32, #tpu.memory_space<vmem_shared>> -> memref<10240x128xf32, #tpu.memory_space<vmem_shared>>
        tpu.wait_indirect_dma semaphore(%run_scoped3A_404 : memref<!tpu.dma_semaphore, #tpu.memory_space<semaphore_mem>>) src(%arg12 : memref<64x128xf32, #tpu.memory_space<vmem>>) dst(%dma_wait3A_416 : memref<10240x128xf32, #tpu.memory_space<vmem_shared>>)
        tpu.yield
      }) : () -> ()
      %add3A_276 = arith.constant 4 : i32
      %add3A_277 = arith.addi %add3A_267, %add3A_276 : i32
      %lt3A_278 = arith.constant 160 : i32
      %lt3A_279 = arith.cmpi slt, %add3A_277, %lt3A_278 : i32
      %convert_element_type3A_280 = arith.extui %lt3A_279 : i1 to i32
      %cond3A_281 = arith.constant 0 : i32
      %cond3A_282 = arith.cmpi ne, %convert_element_type3A_280, %cond3A_281 : i32
      scf.if %cond3A_282 {
        %dma_start3A_404 = arith.constant 5 : i32
        %dma_start3A_405 = arith.constant 0 : i32
        %dma_start3A_406 = tpu.memref_slice %arg8[%dma_start3A_404, %dma_start3A_405] : memref<8x64xi32, #tpu.memory_space<vmem>> -> memref<1x64xi32, #tpu.memory_space<vmem>>
        %dma_start3A_407 = tpu.memref_squeeze %dma_start3A_406 : memref<1x64xi32, #tpu.memory_space<vmem>> -> memref<64xi32, #tpu.memory_space<vmem>>
        %dma_start3A_408 = arith.constant 0 : i32
        %dma_start3A_409 = arith.constant 0 : i32
        %dma_start3A_410 = tpu.memref_slice %arg2[%dma_start3A_408, %dma_start3A_409] : memref<10000x128xf32, #tpu.memory_space<hbm>> -> memref<10000x128xf32, #tpu.memory_space<hbm>>
        tpu.enqueue_indirect_dma source(%dma_start3A_410 : memref<10000x128xf32, #tpu.memory_space<hbm>>) target(%arg12 : memref<64x128xf32, #tpu.memory_space<vmem>>) offsets(%dma_start3A_407 : memref<64xi32, #tpu.memory_space<vmem>>) semaphore(%arg17 : memref<!tpu.dma_semaphore, #tpu.memory_space<semaphore_mem>>)
      } else {
      }
      %mul3A_283 = arith.constant 8 : i32
      %mul3A_284 = arith.muli %add3A_236, %mul3A_283 : i32
      %add3A_285 = arith.constant 2 : i32
      %add3A_286 = arith.addi %mul3A_284, %add3A_285 : i32
      %dma_wait3A_287 = arith.constant 2 : i32
      %dma_wait3A_288 = arith.constant 0 : i32
      %dma_wait3A_289 = tpu.memref_slice %arg8[%dma_wait3A_287, %dma_wait3A_288] : memref<8x64xi32, #tpu.memory_space<vmem>> -> memref<1x64xi32, #tpu.memory_space<vmem>>
      %dma_wait3A_290 = tpu.memref_squeeze %dma_wait3A_289 : memref<1x64xi32, #tpu.memory_space<vmem>> -> memref<64xi32, #tpu.memory_space<vmem>>
      %dma_wait3A_291 = arith.constant 0 : i32
      %dma_wait3A_292 = arith.constant 0 : i32
      %dma_wait3A_293 = tpu.memref_slice %arg2[%dma_wait3A_291, %dma_wait3A_292] : memref<10000x128xf32, #tpu.memory_space<hbm>> -> memref<10000x128xf32, #tpu.memory_space<hbm>>
      tpu.wait_indirect_dma semaphore(%arg18 : memref<!tpu.dma_semaphore, #tpu.memory_space<semaphore_mem>>) src(%dma_wait3A_293 : memref<10000x128xf32, #tpu.memory_space<hbm>>) dst(%arg13 : memref<64x128xf32, #tpu.memory_space<vmem>>)
      %run_scoped3A_294 = arith.constant 2 : i32
      "tpu.region"() ({
        %run_scoped3A_404 = tpu.sem_alloc : memref<!tpu.dma_semaphore, #tpu.memory_space<semaphore_mem>>
        %dma_start3A_405 = arith.constant 0 : i32
        %dma_start3A_406 = tpu.memref_slice %arg10[%run_scoped3A_294, %dma_start3A_405] : memref<8x64xi32, #tpu.memory_space<vmem>> -> memref<1x64xi32, #tpu.memory_space<vmem>>
        %dma_start3A_407 = tpu.memref_squeeze %dma_start3A_406 : memref<1x64xi32, #tpu.memory_space<vmem>> -> memref<64xi32, #tpu.memory_space<vmem>>
        %dma_start3A_408 = arith.constant 0 : i32
        %dma_start3A_409 = arith.constant 0 : i32
        %dma_start3A_410 = tpu.memref_slice %arg15[%dma_start3A_408, %dma_start3A_409] : memref<10240x128xf32, #tpu.memory_space<vmem_shared>> -> memref<10240x128xf32, #tpu.memory_space<vmem_shared>>
        tpu.enqueue_indirect_dma source(%arg13 : memref<64x128xf32, #tpu.memory_space<vmem>>) target(%dma_start3A_410 : memref<10240x128xf32, #tpu.memory_space<vmem_shared>>) offsets(%dma_start3A_407 : memref<64xi32, #tpu.memory_space<vmem>>) semaphore(%run_scoped3A_404 : memref<!tpu.dma_semaphore, #tpu.memory_space<semaphore_mem>>) {add = true}
        %dma_wait3A_411 = arith.constant 0 : i32
        %dma_wait3A_412 = tpu.memref_slice %arg10[%run_scoped3A_294, %dma_wait3A_411] : memref<8x64xi32, #tpu.memory_space<vmem>> -> memref<1x64xi32, #tpu.memory_space<vmem>>
        %dma_wait3A_413 = tpu.memref_squeeze %dma_wait3A_412 : memref<1x64xi32, #tpu.memory_space<vmem>> -> memref<64xi32, #tpu.memory_space<vmem>>
        %dma_wait3A_414 = arith.constant 0 : i32
        %dma_wait3A_415 = arith.constant 0 : i32
        %dma_wait3A_416 = tpu.memref_slice %arg15[%dma_wait3A_414, %dma_wait3A_415] : memref<10240x128xf32, #tpu.memory_space<vmem_shared>> -> memref<10240x128xf32, #tpu.memory_space<vmem_shared>>
        tpu.wait_indirect_dma semaphore(%run_scoped3A_404 : memref<!tpu.dma_semaphore, #tpu.memory_space<semaphore_mem>>) src(%arg13 : memref<64x128xf32, #tpu.memory_space<vmem>>) dst(%dma_wait3A_416 : memref<10240x128xf32, #tpu.memory_space<vmem_shared>>)
        tpu.yield
      }) : () -> ()
      %add3A_295 = arith.constant 4 : i32
      %add3A_296 = arith.addi %add3A_286, %add3A_295 : i32
      %lt3A_297 = arith.constant 160 : i32
      %lt3A_298 = arith.cmpi slt, %add3A_296, %lt3A_297 : i32
      %convert_element_type3A_299 = arith.extui %lt3A_298 : i1 to i32
      %cond3A_300 = arith.constant 0 : i32
      %cond3A_301 = arith.cmpi ne, %convert_element_type3A_299, %cond3A_300 : i32
      scf.if %cond3A_301 {
        %dma_start3A_404 = arith.constant 6 : i32
        %dma_start3A_405 = arith.constant 0 : i32
        %dma_start3A_406 = tpu.memref_slice %arg8[%dma_start3A_404, %dma_start3A_405] : memref<8x64xi32, #tpu.memory_space<vmem>> -> memref<1x64xi32, #tpu.memory_space<vmem>>
        %dma_start3A_407 = tpu.memref_squeeze %dma_start3A_406 : memref<1x64xi32, #tpu.memory_space<vmem>> -> memref<64xi32, #tpu.memory_space<vmem>>
        %dma_start3A_408 = arith.constant 0 : i32
        %dma_start3A_409 = arith.constant 0 : i32
        %dma_start3A_410 = tpu.memref_slice %arg2[%dma_start3A_408, %dma_start3A_409] : memref<10000x128xf32, #tpu.memory_space<hbm>> -> memref<10000x128xf32, #tpu.memory_space<hbm>>
        tpu.enqueue_indirect_dma source(%dma_start3A_410 : memref<10000x128xf32, #tpu.memory_space<hbm>>) target(%arg13 : memref<64x128xf32, #tpu.memory_space<vmem>>) offsets(%dma_start3A_407 : memref<64xi32, #tpu.memory_space<vmem>>) semaphore(%arg18 : memref<!tpu.dma_semaphore, #tpu.memory_space<semaphore_mem>>)
      } else {
      }
      %mul3A_302 = arith.constant 8 : i32
      %mul3A_303 = arith.muli %add3A_236, %mul3A_302 : i32
      %add3A_304 = arith.constant 3 : i32
      %add3A_305 = arith.addi %mul3A_303, %add3A_304 : i32
      %dma_wait3A_306 = arith.constant 3 : i32
      %dma_wait3A_307 = arith.constant 0 : i32
      %dma_wait3A_308 = tpu.memref_slice %arg8[%dma_wait3A_306, %dma_wait3A_307] : memref<8x64xi32, #tpu.memory_space<vmem>> -> memref<1x64xi32, #tpu.memory_space<vmem>>
      %dma_wait3A_309 = tpu.memref_squeeze %dma_wait3A_308 : memref<1x64xi32, #tpu.memory_space<vmem>> -> memref<64xi32, #tpu.memory_space<vmem>>
      %dma_wait3A_310 = arith.constant 0 : i32
      %dma_wait3A_311 = arith.constant 0 : i32
      %dma_wait3A_312 = tpu.memref_slice %arg2[%dma_wait3A_310, %dma_wait3A_311] : memref<10000x128xf32, #tpu.memory_space<hbm>> -> memref<10000x128xf32, #tpu.memory_space<hbm>>
      tpu.wait_indirect_dma semaphore(%arg19 : memref<!tpu.dma_semaphore, #tpu.memory_space<semaphore_mem>>) src(%dma_wait3A_312 : memref<10000x128xf32, #tpu.memory_space<hbm>>) dst(%arg14 : memref<64x128xf32, #tpu.memory_space<vmem>>)
      %run_scoped3A_313 = arith.constant 3 : i32
      "tpu.region"() ({
        %run_scoped3A_404 = tpu.sem_alloc : memref<!tpu.dma_semaphore, #tpu.memory_space<semaphore_mem>>
        %dma_start3A_405 = arith.constant 0 : i32
        %dma_start3A_406 = tpu.memref_slice %arg10[%run_scoped3A_313, %dma_start3A_405] : memref<8x64xi32, #tpu.memory_space<vmem>> -> memref<1x64xi32, #tpu.memory_space<vmem>>
        %dma_start3A_407 = tpu.memref_squeeze %dma_start3A_406 : memref<1x64xi32, #tpu.memory_space<vmem>> -> memref<64xi32, #tpu.memory_space<vmem>>
        %dma_start3A_408 = arith.constant 0 : i32
        %dma_start3A_409 = arith.constant 0 : i32
        %dma_start3A_410 = tpu.memref_slice %arg15[%dma_start3A_408, %dma_start3A_409] : memref<10240x128xf32, #tpu.memory_space<vmem_shared>> -> memref<10240x128xf32, #tpu.memory_space<vmem_shared>>
        tpu.enqueue_indirect_dma source(%arg14 : memref<64x128xf32, #tpu.memory_space<vmem>>) target(%dma_start3A_410 : memref<10240x128xf32, #tpu.memory_space<vmem_shared>>) offsets(%dma_start3A_407 : memref<64xi32, #tpu.memory_space<vmem>>) semaphore(%run_scoped3A_404 : memref<!tpu.dma_semaphore, #tpu.memory_space<semaphore_mem>>) {add = true}
        %dma_wait3A_411 = arith.constant 0 : i32
        %dma_wait3A_412 = tpu.memref_slice %arg10[%run_scoped3A_313, %dma_wait3A_411] : memref<8x64xi32, #tpu.memory_space<vmem>> -> memref<1x64xi32, #tpu.memory_space<vmem>>
        %dma_wait3A_413 = tpu.memref_squeeze %dma_wait3A_412 : memref<1x64xi32, #tpu.memory_space<vmem>> -> memref<64xi32, #tpu.memory_space<vmem>>
        %dma_wait3A_414 = arith.constant 0 : i32
        %dma_wait3A_415 = arith.constant 0 : i32
        %dma_wait3A_416 = tpu.memref_slice %arg15[%dma_wait3A_414, %dma_wait3A_415] : memref<10240x128xf32, #tpu.memory_space<vmem_shared>> -> memref<10240x128xf32, #tpu.memory_space<vmem_shared>>
        tpu.wait_indirect_dma semaphore(%run_scoped3A_404 : memref<!tpu.dma_semaphore, #tpu.memory_space<semaphore_mem>>) src(%arg14 : memref<64x128xf32, #tpu.memory_space<vmem>>) dst(%dma_wait3A_416 : memref<10240x128xf32, #tpu.memory_space<vmem_shared>>)
        tpu.yield
      }) : () -> ()
      %add3A_314 = arith.constant 4 : i32
      %add3A_315 = arith.addi %add3A_305, %add3A_314 : i32
      %lt3A_316 = arith.constant 160 : i32
      %lt3A_317 = arith.cmpi slt, %add3A_315, %lt3A_316 : i32
      %convert_element_type3A_318 = arith.extui %lt3A_317 : i1 to i32
      %cond3A_319 = arith.constant 0 : i32
      %cond3A_320 = arith.cmpi ne, %convert_element_type3A_318, %cond3A_319 : i32
      scf.if %cond3A_320 {
        %dma_start3A_404 = arith.constant 7 : i32
        %dma_start3A_405 = arith.constant 0 : i32
        %dma_start3A_406 = tpu.memref_slice %arg8[%dma_start3A_404, %dma_start3A_405] : memref<8x64xi32, #tpu.memory_space<vmem>> -> memref<1x64xi32, #tpu.memory_space<vmem>>
        %dma_start3A_407 = tpu.memref_squeeze %dma_start3A_406 : memref<1x64xi32, #tpu.memory_space<vmem>> -> memref<64xi32, #tpu.memory_space<vmem>>
        %dma_start3A_408 = arith.constant 0 : i32
        %dma_start3A_409 = arith.constant 0 : i32
        %dma_start3A_410 = tpu.memref_slice %arg2[%dma_start3A_408, %dma_start3A_409] : memref<10000x128xf32, #tpu.memory_space<hbm>> -> memref<10000x128xf32, #tpu.memory_space<hbm>>
        tpu.enqueue_indirect_dma source(%dma_start3A_410 : memref<10000x128xf32, #tpu.memory_space<hbm>>) target(%arg14 : memref<64x128xf32, #tpu.memory_space<vmem>>) offsets(%dma_start3A_407 : memref<64xi32, #tpu.memory_space<vmem>>) semaphore(%arg19 : memref<!tpu.dma_semaphore, #tpu.memory_space<semaphore_mem>>)
      } else {
      }
      %mul3A_321 = arith.constant 8 : i32
      %mul3A_322 = arith.muli %add3A_236, %mul3A_321 : i32
      %add3A_323 = arith.constant 4 : i32
      %add3A_324 = arith.addi %mul3A_322, %add3A_323 : i32
      %dma_wait3A_325 = arith.constant 4 : i32
      %dma_wait3A_326 = arith.constant 0 : i32
      %dma_wait3A_327 = tpu.memref_slice %arg8[%dma_wait3A_325, %dma_wait3A_326] : memref<8x64xi32, #tpu.memory_space<vmem>> -> memref<1x64xi32, #tpu.memory_space<vmem>>
      %dma_wait3A_328 = tpu.memref_squeeze %dma_wait3A_327 : memref<1x64xi32, #tpu.memory_space<vmem>> -> memref<64xi32, #tpu.memory_space<vmem>>
      %dma_wait3A_329 = arith.constant 0 : i32
      %dma_wait3A_330 = arith.constant 0 : i32
      %dma_wait3A_331 = tpu.memref_slice %arg2[%dma_wait3A_329, %dma_wait3A_330] : memref<10000x128xf32, #tpu.memory_space<hbm>> -> memref<10000x128xf32, #tpu.memory_space<hbm>>
      tpu.wait_indirect_dma semaphore(%arg16 : memref<!tpu.dma_semaphore, #tpu.memory_space<semaphore_mem>>) src(%dma_wait3A_331 : memref<10000x128xf32, #tpu.memory_space<hbm>>) dst(%arg11 : memref<64x128xf32, #tpu.memory_space<vmem>>)
      %run_scoped3A_332 = arith.constant 4 : i32
      "tpu.region"() ({
        %run_scoped3A_404 = tpu.sem_alloc : memref<!tpu.dma_semaphore, #tpu.memory_space<semaphore_mem>>
        %dma_start3A_405 = arith.constant 0 : i32
        %dma_start3A_406 = tpu.memref_slice %arg10[%run_scoped3A_332, %dma_start3A_405] : memref<8x64xi32, #tpu.memory_space<vmem>> -> memref<1x64xi32, #tpu.memory_space<vmem>>
        %dma_start3A_407 = tpu.memref_squeeze %dma_start3A_406 : memref<1x64xi32, #tpu.memory_space<vmem>> -> memref<64xi32, #tpu.memory_space<vmem>>
        %dma_start3A_408 = arith.constant 0 : i32
        %dma_start3A_409 = arith.constant 0 : i32
        %dma_start3A_410 = tpu.memref_slice %arg15[%dma_start3A_408, %dma_start3A_409] : memref<10240x128xf32, #tpu.memory_space<vmem_shared>> -> memref<10240x128xf32, #tpu.memory_space<vmem_shared>>
        tpu.enqueue_indirect_dma source(%arg11 : memref<64x128xf32, #tpu.memory_space<vmem>>) target(%dma_start3A_410 : memref<10240x128xf32, #tpu.memory_space<vmem_shared>>) offsets(%dma_start3A_407 : memref<64xi32, #tpu.memory_space<vmem>>) semaphore(%run_scoped3A_404 : memref<!tpu.dma_semaphore, #tpu.memory_space<semaphore_mem>>) {add = true}
        %dma_wait3A_411 = arith.constant 0 : i32
        %dma_wait3A_412 = tpu.memref_slice %arg10[%run_scoped3A_332, %dma_wait3A_411] : memref<8x64xi32, #tpu.memory_space<vmem>> -> memref<1x64xi32, #tpu.memory_space<vmem>>
        %dma_wait3A_413 = tpu.memref_squeeze %dma_wait3A_412 : memref<1x64xi32, #tpu.memory_space<vmem>> -> memref<64xi32, #tpu.memory_space<vmem>>
        %dma_wait3A_414 = arith.constant 0 : i32
        %dma_wait3A_415 = arith.constant 0 : i32
        %dma_wait3A_416 = tpu.memref_slice %arg15[%dma_wait3A_414, %dma_wait3A_415] : memref<10240x128xf32, #tpu.memory_space<vmem_shared>> -> memref<10240x128xf32, #tpu.memory_space<vmem_shared>>
        tpu.wait_indirect_dma semaphore(%run_scoped3A_404 : memref<!tpu.dma_semaphore, #tpu.memory_space<semaphore_mem>>) src(%arg11 : memref<64x128xf32, #tpu.memory_space<vmem>>) dst(%dma_wait3A_416 : memref<10240x128xf32, #tpu.memory_space<vmem_shared>>)
        tpu.yield
      }) : () -> ()
      %add3A_333 = arith.constant 4 : i32
      %add3A_334 = arith.addi %add3A_324, %add3A_333 : i32
      %lt3A_335 = arith.constant 160 : i32
      %lt3A_336 = arith.cmpi slt, %add3A_334, %lt3A_335 : i32
      %convert_element_type3A_337 = arith.extui %lt3A_336 : i1 to i32
      %cond3A_338 = arith.constant 0 : i32
      %cond3A_339 = arith.cmpi ne, %convert_element_type3A_337, %cond3A_338 : i32
      scf.if %cond3A_339 {
        %add3A_404 = arith.constant 1 : i32
        %add3A_405 = arith.addi %add3A_236, %add3A_404 : i32
        %mul3A_406 = arith.constant 8 : i32
        %mul3A_407 = arith.muli %add3A_405, %mul3A_406 : i32
        %dma_wait3A_408 = arith.constant 0 : i32
        %dma_wait3A_409 = tpu.memref_slice %arg3[%add3A, %mul3A_407, %dma_wait3A_408] : memref<32x160x64xi32, #tpu.memory_space<hbm>> -> memref<1x8x64xi32, #tpu.memory_space<hbm>>
        %dma_wait3A_410 = tpu.memref_squeeze %dma_wait3A_409 : memref<1x8x64xi32, #tpu.memory_space<hbm>> -> memref<8x64xi32, #tpu.memory_space<hbm>>
        %dma_wait3A_411 = arith.constant 0 : i32
        %dma_wait3A_412 = tpu.memref_slice %arg3[%add3A, %mul3A_407, %dma_wait3A_411] : memref<32x160x64xi32, #tpu.memory_space<hbm>> -> memref<1x8x64xi32, #tpu.memory_space<hbm>>
        %dma_wait3A_413 = tpu.memref_squeeze %dma_wait3A_412 : memref<1x8x64xi32, #tpu.memory_space<hbm>> -> memref<8x64xi32, #tpu.memory_space<hbm>>
        tpu.wait_dma2 semaphore(%arg20 : memref<!tpu.dma_semaphore, #tpu.memory_space<semaphore_mem>>) src(%dma_wait3A_413 : memref<8x64xi32, #tpu.memory_space<hbm>>) dst(%arg7 : memref<8x64xi32, #tpu.memory_space<vmem>>)
        %dma_start3A_414 = arith.constant 0 : i32
        %dma_start3A_415 = arith.constant 0 : i32
        %dma_start3A_416 = tpu.memref_slice %arg7[%dma_start3A_414, %dma_start3A_415] : memref<8x64xi32, #tpu.memory_space<vmem>> -> memref<1x64xi32, #tpu.memory_space<vmem>>
        %dma_start3A_417 = tpu.memref_squeeze %dma_start3A_416 : memref<1x64xi32, #tpu.memory_space<vmem>> -> memref<64xi32, #tpu.memory_space<vmem>>
        %dma_start3A_418 = arith.constant 0 : i32
        %dma_start3A_419 = arith.constant 0 : i32
        %dma_start3A_420 = tpu.memref_slice %arg2[%dma_start3A_418, %dma_start3A_419] : memref<10000x128xf32, #tpu.memory_space<hbm>> -> memref<10000x128xf32, #tpu.memory_space<hbm>>
        tpu.enqueue_indirect_dma source(%dma_start3A_420 : memref<10000x128xf32, #tpu.memory_space<hbm>>) target(%arg11 : memref<64x128xf32, #tpu.memory_space<vmem>>) offsets(%dma_start3A_417 : memref<64xi32, #tpu.memory_space<vmem>>) semaphore(%arg16 : memref<!tpu.dma_semaphore, #tpu.memory_space<semaphore_mem>>)
      } else {
      }
      %mul3A_340 = arith.constant 8 : i32
      %mul3A_341 = arith.muli %add3A_236, %mul3A_340 : i32
      %add3A_342 = arith.constant 5 : i32
      %add3A_343 = arith.addi %mul3A_341, %add3A_342 : i32
      %dma_wait3A_344 = arith.constant 5 : i32
      %dma_wait3A_345 = arith.constant 0 : i32
      %dma_wait3A_346 = tpu.memref_slice %arg8[%dma_wait3A_344, %dma_wait3A_345] : memref<8x64xi32, #tpu.memory_space<vmem>> -> memref<1x64xi32, #tpu.memory_space<vmem>>
      %dma_wait3A_347 = tpu.memref_squeeze %dma_wait3A_346 : memref<1x64xi32, #tpu.memory_space<vmem>> -> memref<64xi32, #tpu.memory_space<vmem>>
      %dma_wait3A_348 = arith.constant 0 : i32
      %dma_wait3A_349 = arith.constant 0 : i32
      %dma_wait3A_350 = tpu.memref_slice %arg2[%dma_wait3A_348, %dma_wait3A_349] : memref<10000x128xf32, #tpu.memory_space<hbm>> -> memref<10000x128xf32, #tpu.memory_space<hbm>>
      tpu.wait_indirect_dma semaphore(%arg17 : memref<!tpu.dma_semaphore, #tpu.memory_space<semaphore_mem>>) src(%dma_wait3A_350 : memref<10000x128xf32, #tpu.memory_space<hbm>>) dst(%arg12 : memref<64x128xf32, #tpu.memory_space<vmem>>)
      %run_scoped3A_351 = arith.constant 5 : i32
      "tpu.region"() ({
        %run_scoped3A_404 = tpu.sem_alloc : memref<!tpu.dma_semaphore, #tpu.memory_space<semaphore_mem>>
        %dma_start3A_405 = arith.constant 0 : i32
        %dma_start3A_406 = tpu.memref_slice %arg10[%run_scoped3A_351, %dma_start3A_405] : memref<8x64xi32, #tpu.memory_space<vmem>> -> memref<1x64xi32, #tpu.memory_space<vmem>>
        %dma_start3A_407 = tpu.memref_squeeze %dma_start3A_406 : memref<1x64xi32, #tpu.memory_space<vmem>> -> memref<64xi32, #tpu.memory_space<vmem>>
        %dma_start3A_408 = arith.constant 0 : i32
        %dma_start3A_409 = arith.constant 0 : i32
        %dma_start3A_410 = tpu.memref_slice %arg15[%dma_start3A_408, %dma_start3A_409] : memref<10240x128xf32, #tpu.memory_space<vmem_shared>> -> memref<10240x128xf32, #tpu.memory_space<vmem_shared>>
        tpu.enqueue_indirect_dma source(%arg12 : memref<64x128xf32, #tpu.memory_space<vmem>>) target(%dma_start3A_410 : memref<10240x128xf32, #tpu.memory_space<vmem_shared>>) offsets(%dma_start3A_407 : memref<64xi32, #tpu.memory_space<vmem>>) semaphore(%run_scoped3A_404 : memref<!tpu.dma_semaphore, #tpu.memory_space<semaphore_mem>>) {add = true}
        %dma_wait3A_411 = arith.constant 0 : i32
        %dma_wait3A_412 = tpu.memref_slice %arg10[%run_scoped3A_351, %dma_wait3A_411] : memref<8x64xi32, #tpu.memory_space<vmem>> -> memref<1x64xi32, #tpu.memory_space<vmem>>
        %dma_wait3A_413 = tpu.memref_squeeze %dma_wait3A_412 : memref<1x64xi32, #tpu.memory_space<vmem>> -> memref<64xi32, #tpu.memory_space<vmem>>
        %dma_wait3A_414 = arith.constant 0 : i32
        %dma_wait3A_415 = arith.constant 0 : i32
        %dma_wait3A_416 = tpu.memref_slice %arg15[%dma_wait3A_414, %dma_wait3A_415] : memref<10240x128xf32, #tpu.memory_space<vmem_shared>> -> memref<10240x128xf32, #tpu.memory_space<vmem_shared>>
        tpu.wait_indirect_dma semaphore(%run_scoped3A_404 : memref<!tpu.dma_semaphore, #tpu.memory_space<semaphore_mem>>) src(%arg12 : memref<64x128xf32, #tpu.memory_space<vmem>>) dst(%dma_wait3A_416 : memref<10240x128xf32, #tpu.memory_space<vmem_shared>>)
        tpu.yield
      }) : () -> ()
      %add3A_352 = arith.constant 4 : i32
      %add3A_353 = arith.addi %add3A_343, %add3A_352 : i32
      %lt3A_354 = arith.constant 160 : i32
      %lt3A_355 = arith.cmpi slt, %add3A_353, %lt3A_354 : i32
      %convert_element_type3A_356 = arith.extui %lt3A_355 : i1 to i32
      %cond3A_357 = arith.constant 0 : i32
      %cond3A_358 = arith.cmpi ne, %convert_element_type3A_356, %cond3A_357 : i32
      scf.if %cond3A_358 {
        %dma_start3A_404 = arith.constant 1 : i32
        %dma_start3A_405 = arith.constant 0 : i32
        %dma_start3A_406 = tpu.memref_slice %arg7[%dma_start3A_404, %dma_start3A_405] : memref<8x64xi32, #tpu.memory_space<vmem>> -> memref<1x64xi32, #tpu.memory_space<vmem>>
        %dma_start3A_407 = tpu.memref_squeeze %dma_start3A_406 : memref<1x64xi32, #tpu.memory_space<vmem>> -> memref<64xi32, #tpu.memory_space<vmem>>
        %dma_start3A_408 = arith.constant 0 : i32
        %dma_start3A_409 = arith.constant 0 : i32
        %dma_start3A_410 = tpu.memref_slice %arg2[%dma_start3A_408, %dma_start3A_409] : memref<10000x128xf32, #tpu.memory_space<hbm>> -> memref<10000x128xf32, #tpu.memory_space<hbm>>
        tpu.enqueue_indirect_dma source(%dma_start3A_410 : memref<10000x128xf32, #tpu.memory_space<hbm>>) target(%arg12 : memref<64x128xf32, #tpu.memory_space<vmem>>) offsets(%dma_start3A_407 : memref<64xi32, #tpu.memory_space<vmem>>) semaphore(%arg17 : memref<!tpu.dma_semaphore, #tpu.memory_space<semaphore_mem>>)
      } else {
      }
      %mul3A_359 = arith.constant 8 : i32
      %mul3A_360 = arith.muli %add3A_236, %mul3A_359 : i32
      %add3A_361 = arith.constant 6 : i32
      %add3A_362 = arith.addi %mul3A_360, %add3A_361 : i32
      %dma_wait3A_363 = arith.constant 6 : i32
      %dma_wait3A_364 = arith.constant 0 : i32
      %dma_wait3A_365 = tpu.memref_slice %arg8[%dma_wait3A_363, %dma_wait3A_364] : memref<8x64xi32, #tpu.memory_space<vmem>> -> memref<1x64xi32, #tpu.memory_space<vmem>>
      %dma_wait3A_366 = tpu.memref_squeeze %dma_wait3A_365 : memref<1x64xi32, #tpu.memory_space<vmem>> -> memref<64xi32, #tpu.memory_space<vmem>>
      %dma_wait3A_367 = arith.constant 0 : i32
      %dma_wait3A_368 = arith.constant 0 : i32
      %dma_wait3A_369 = tpu.memref_slice %arg2[%dma_wait3A_367, %dma_wait3A_368] : memref<10000x128xf32, #tpu.memory_space<hbm>> -> memref<10000x128xf32, #tpu.memory_space<hbm>>
      tpu.wait_indirect_dma semaphore(%arg18 : memref<!tpu.dma_semaphore, #tpu.memory_space<semaphore_mem>>) src(%dma_wait3A_369 : memref<10000x128xf32, #tpu.memory_space<hbm>>) dst(%arg13 : memref<64x128xf32, #tpu.memory_space<vmem>>)
      %run_scoped3A_370 = arith.constant 6 : i32
      "tpu.region"() ({
        %run_scoped3A_404 = tpu.sem_alloc : memref<!tpu.dma_semaphore, #tpu.memory_space<semaphore_mem>>
        %dma_start3A_405 = arith.constant 0 : i32
        %dma_start3A_406 = tpu.memref_slice %arg10[%run_scoped3A_370, %dma_start3A_405] : memref<8x64xi32, #tpu.memory_space<vmem>> -> memref<1x64xi32, #tpu.memory_space<vmem>>
        %dma_start3A_407 = tpu.memref_squeeze %dma_start3A_406 : memref<1x64xi32, #tpu.memory_space<vmem>> -> memref<64xi32, #tpu.memory_space<vmem>>
        %dma_start3A_408 = arith.constant 0 : i32
        %dma_start3A_409 = arith.constant 0 : i32
        %dma_start3A_410 = tpu.memref_slice %arg15[%dma_start3A_408, %dma_start3A_409] : memref<10240x128xf32, #tpu.memory_space<vmem_shared>> -> memref<10240x128xf32, #tpu.memory_space<vmem_shared>>
        tpu.enqueue_indirect_dma source(%arg13 : memref<64x128xf32, #tpu.memory_space<vmem>>) target(%dma_start3A_410 : memref<10240x128xf32, #tpu.memory_space<vmem_shared>>) offsets(%dma_start3A_407 : memref<64xi32, #tpu.memory_space<vmem>>) semaphore(%run_scoped3A_404 : memref<!tpu.dma_semaphore, #tpu.memory_space<semaphore_mem>>) {add = true}
        %dma_wait3A_411 = arith.constant 0 : i32
        %dma_wait3A_412 = tpu.memref_slice %arg10[%run_scoped3A_370, %dma_wait3A_411] : memref<8x64xi32, #tpu.memory_space<vmem>> -> memref<1x64xi32, #tpu.memory_space<vmem>>
        %dma_wait3A_413 = tpu.memref_squeeze %dma_wait3A_412 : memref<1x64xi32, #tpu.memory_space<vmem>> -> memref<64xi32, #tpu.memory_space<vmem>>
        %dma_wait3A_414 = arith.constant 0 : i32
        %dma_wait3A_415 = arith.constant 0 : i32
        %dma_wait3A_416 = tpu.memref_slice %arg15[%dma_wait3A_414, %dma_wait3A_415] : memref<10240x128xf32, #tpu.memory_space<vmem_shared>> -> memref<10240x128xf32, #tpu.memory_space<vmem_shared>>
        tpu.wait_indirect_dma semaphore(%run_scoped3A_404 : memref<!tpu.dma_semaphore, #tpu.memory_space<semaphore_mem>>) src(%arg13 : memref<64x128xf32, #tpu.memory_space<vmem>>) dst(%dma_wait3A_416 : memref<10240x128xf32, #tpu.memory_space<vmem_shared>>)
        tpu.yield
      }) : () -> ()
      %add3A_371 = arith.constant 4 : i32
      %add3A_372 = arith.addi %add3A_362, %add3A_371 : i32
      %lt3A_373 = arith.constant 160 : i32
      %lt3A_374 = arith.cmpi slt, %add3A_372, %lt3A_373 : i32
      %convert_element_type3A_375 = arith.extui %lt3A_374 : i1 to i32
      %cond3A_376 = arith.constant 0 : i32
      %cond3A_377 = arith.cmpi ne, %convert_element_type3A_375, %cond3A_376 : i32
      scf.if %cond3A_377 {
        %dma_start3A_404 = arith.constant 2 : i32
        %dma_start3A_405 = arith.constant 0 : i32
        %dma_start3A_406 = tpu.memref_slice %arg7[%dma_start3A_404, %dma_start3A_405] : memref<8x64xi32, #tpu.memory_space<vmem>> -> memref<1x64xi32, #tpu.memory_space<vmem>>
        %dma_start3A_407 = tpu.memref_squeeze %dma_start3A_406 : memref<1x64xi32, #tpu.memory_space<vmem>> -> memref<64xi32, #tpu.memory_space<vmem>>
        %dma_start3A_408 = arith.constant 0 : i32
        %dma_start3A_409 = arith.constant 0 : i32
        %dma_start3A_410 = tpu.memref_slice %arg2[%dma_start3A_408, %dma_start3A_409] : memref<10000x128xf32, #tpu.memory_space<hbm>> -> memref<10000x128xf32, #tpu.memory_space<hbm>>
        tpu.enqueue_indirect_dma source(%dma_start3A_410 : memref<10000x128xf32, #tpu.memory_space<hbm>>) target(%arg13 : memref<64x128xf32, #tpu.memory_space<vmem>>) offsets(%dma_start3A_407 : memref<64xi32, #tpu.memory_space<vmem>>) semaphore(%arg18 : memref<!tpu.dma_semaphore, #tpu.memory_space<semaphore_mem>>)
      } else {
      }
      %mul3A_378 = arith.constant 8 : i32
      %mul3A_379 = arith.muli %add3A_236, %mul3A_378 : i32
      %add3A_380 = arith.constant 7 : i32
      %add3A_381 = arith.addi %mul3A_379, %add3A_380 : i32
      %dma_wait3A_382 = arith.constant 7 : i32
      %dma_wait3A_383 = arith.constant 0 : i32
      %dma_wait3A_384 = tpu.memref_slice %arg8[%dma_wait3A_382, %dma_wait3A_383] : memref<8x64xi32, #tpu.memory_space<vmem>> -> memref<1x64xi32, #tpu.memory_space<vmem>>
      %dma_wait3A_385 = tpu.memref_squeeze %dma_wait3A_384 : memref<1x64xi32, #tpu.memory_space<vmem>> -> memref<64xi32, #tpu.memory_space<vmem>>
      %dma_wait3A_386 = arith.constant 0 : i32
      %dma_wait3A_387 = arith.constant 0 : i32
      %dma_wait3A_388 = tpu.memref_slice %arg2[%dma_wait3A_386, %dma_wait3A_387] : memref<10000x128xf32, #tpu.memory_space<hbm>> -> memref<10000x128xf32, #tpu.memory_space<hbm>>
      tpu.wait_indirect_dma semaphore(%arg19 : memref<!tpu.dma_semaphore, #tpu.memory_space<semaphore_mem>>) src(%dma_wait3A_388 : memref<10000x128xf32, #tpu.memory_space<hbm>>) dst(%arg14 : memref<64x128xf32, #tpu.memory_space<vmem>>)
      %run_scoped3A_389 = arith.constant 7 : i32
      "tpu.region"() ({
        %run_scoped3A_404 = tpu.sem_alloc : memref<!tpu.dma_semaphore, #tpu.memory_space<semaphore_mem>>
        %dma_start3A_405 = arith.constant 0 : i32
        %dma_start3A_406 = tpu.memref_slice %arg10[%run_scoped3A_389, %dma_start3A_405] : memref<8x64xi32, #tpu.memory_space<vmem>> -> memref<1x64xi32, #tpu.memory_space<vmem>>
        %dma_start3A_407 = tpu.memref_squeeze %dma_start3A_406 : memref<1x64xi32, #tpu.memory_space<vmem>> -> memref<64xi32, #tpu.memory_space<vmem>>
        %dma_start3A_408 = arith.constant 0 : i32
        %dma_start3A_409 = arith.constant 0 : i32
        %dma_start3A_410 = tpu.memref_slice %arg15[%dma_start3A_408, %dma_start3A_409] : memref<10240x128xf32, #tpu.memory_space<vmem_shared>> -> memref<10240x128xf32, #tpu.memory_space<vmem_shared>>
        tpu.enqueue_indirect_dma source(%arg14 : memref<64x128xf32, #tpu.memory_space<vmem>>) target(%dma_start3A_410 : memref<10240x128xf32, #tpu.memory_space<vmem_shared>>) offsets(%dma_start3A_407 : memref<64xi32, #tpu.memory_space<vmem>>) semaphore(%run_scoped3A_404 : memref<!tpu.dma_semaphore, #tpu.memory_space<semaphore_mem>>) {add = true}
        %dma_wait3A_411 = arith.constant 0 : i32
        %dma_wait3A_412 = tpu.memref_slice %arg10[%run_scoped3A_389, %dma_wait3A_411] : memref<8x64xi32, #tpu.memory_space<vmem>> -> memref<1x64xi32, #tpu.memory_space<vmem>>
        %dma_wait3A_413 = tpu.memref_squeeze %dma_wait3A_412 : memref<1x64xi32, #tpu.memory_space<vmem>> -> memref<64xi32, #tpu.memory_space<vmem>>
        %dma_wait3A_414 = arith.constant 0 : i32
        %dma_wait3A_415 = arith.constant 0 : i32
        %dma_wait3A_416 = tpu.memref_slice %arg15[%dma_wait3A_414, %dma_wait3A_415] : memref<10240x128xf32, #tpu.memory_space<vmem_shared>> -> memref<10240x128xf32, #tpu.memory_space<vmem_shared>>
        tpu.wait_indirect_dma semaphore(%run_scoped3A_404 : memref<!tpu.dma_semaphore, #tpu.memory_space<semaphore_mem>>) src(%arg14 : memref<64x128xf32, #tpu.memory_space<vmem>>) dst(%dma_wait3A_416 : memref<10240x128xf32, #tpu.memory_space<vmem_shared>>)
        tpu.yield
      }) : () -> ()
      %add3A_390 = arith.constant 4 : i32
      %add3A_391 = arith.addi %add3A_381, %add3A_390 : i32
      %lt3A_392 = arith.constant 160 : i32
      %lt3A_393 = arith.cmpi slt, %add3A_391, %lt3A_392 : i32
      %convert_element_type3A_394 = arith.extui %lt3A_393 : i1 to i32
      %cond3A_395 = arith.constant 0 : i32
      %cond3A_396 = arith.cmpi ne, %convert_element_type3A_394, %cond3A_395 : i32
      scf.if %cond3A_396 {
        %dma_start3A_404 = arith.constant 3 : i32
        %dma_start3A_405 = arith.constant 0 : i32
        %dma_start3A_406 = tpu.memref_slice %arg7[%dma_start3A_404, %dma_start3A_405] : memref<8x64xi32, #tpu.memory_space<vmem>> -> memref<1x64xi32, #tpu.memory_space<vmem>>
        %dma_start3A_407 = tpu.memref_squeeze %dma_start3A_406 : memref<1x64xi32, #tpu.memory_space<vmem>> -> memref<64xi32, #tpu.memory_space<vmem>>
        %dma_start3A_408 = arith.constant 0 : i32
        %dma_start3A_409 = arith.constant 0 : i32
        %dma_start3A_410 = tpu.memref_slice %arg2[%dma_start3A_408, %dma_start3A_409] : memref<10000x128xf32, #tpu.memory_space<hbm>> -> memref<10000x128xf32, #tpu.memory_space<hbm>>
        tpu.enqueue_indirect_dma source(%dma_start3A_410 : memref<10000x128xf32, #tpu.memory_space<hbm>>) target(%arg14 : memref<64x128xf32, #tpu.memory_space<vmem>>) offsets(%dma_start3A_407 : memref<64xi32, #tpu.memory_space<vmem>>) semaphore(%arg19 : memref<!tpu.dma_semaphore, #tpu.memory_space<semaphore_mem>>)
      } else {
      }
      %add3A_397 = arith.constant 2 : i32
      %add3A_398 = arith.addi %add3A_236, %add3A_397 : i32
      %lt3A_399 = arith.constant 20 : i32
      %lt3A_400 = arith.cmpi slt, %add3A_398, %lt3A_399 : i32
      %convert_element_type3A_401 = arith.extui %lt3A_400 : i1 to i32
      %cond3A_402 = arith.constant 0 : i32
      %cond3A_403 = arith.cmpi ne, %convert_element_type3A_401, %cond3A_402 : i32
      scf.if %cond3A_403 {
        %add3A_404 = arith.constant 2 : i32
        %add3A_405 = arith.addi %add3A_236, %add3A_404 : i32
        %mul3A_406 = arith.constant 8 : i32
        %mul3A_407 = arith.muli %add3A_405, %mul3A_406 : i32
        %dma_start3A_408 = arith.constant 0 : i32
        %dma_start3A_409 = tpu.memref_slice %arg3[%add3A, %mul3A_407, %dma_start3A_408] : memref<32x160x64xi32, #tpu.memory_space<hbm>> -> memref<1x8x64xi32, #tpu.memory_space<hbm>>
        %dma_start3A_410 = tpu.memref_squeeze %dma_start3A_409 : memref<1x8x64xi32, #tpu.memory_space<hbm>> -> memref<8x64xi32, #tpu.memory_space<hbm>>
        %dma_start3A_411 = arith.constant 0 : i32
        %dma_start3A_412 = tpu.memref_slice %arg3[%add3A, %mul3A_407, %dma_start3A_411] : memref<32x160x64xi32, #tpu.memory_space<hbm>> -> memref<1x8x64xi32, #tpu.memory_space<hbm>>
        %dma_start3A_413 = tpu.memref_squeeze %dma_start3A_412 : memref<1x8x64xi32, #tpu.memory_space<hbm>> -> memref<8x64xi32, #tpu.memory_space<hbm>>
        tpu.enqueue_dma source(%dma_start3A_413 : memref<8x64xi32, #tpu.memory_space<hbm>>) target(%arg8 : memref<8x64xi32, #tpu.memory_space<vmem>>) target_semaphore(%arg21 : memref<!tpu.dma_semaphore, #tpu.memory_space<semaphore_mem>>)
        %add3A_414 = arith.constant 2 : i32
        %add3A_415 = arith.addi %add3A_236, %add3A_414 : i32
        %mul3A_416 = arith.constant 8 : i32
        %mul3A_417 = arith.muli %add3A_415, %mul3A_416 : i32
        %dma_start3A_418 = arith.constant 0 : i32
        %dma_start3A_419 = tpu.memref_slice %arg4[%add3A, %mul3A_417, %dma_start3A_418] : memref<32x160x64xi32, #tpu.memory_space<hbm>> -> memref<1x8x64xi32, #tpu.memory_space<hbm>>
        %dma_start3A_420 = tpu.memref_squeeze %dma_start3A_419 : memref<1x8x64xi32, #tpu.memory_space<hbm>> -> memref<8x64xi32, #tpu.memory_space<hbm>>
        %dma_start3A_421 = arith.constant 0 : i32
        %dma_start3A_422 = tpu.memref_slice %arg4[%add3A, %mul3A_417, %dma_start3A_421] : memref<32x160x64xi32, #tpu.memory_space<hbm>> -> memref<1x8x64xi32, #tpu.memory_space<hbm>>
        %dma_start3A_423 = tpu.memref_squeeze %dma_start3A_422 : memref<1x8x64xi32, #tpu.memory_space<hbm>> -> memref<8x64xi32, #tpu.memory_space<hbm>>
        tpu.enqueue_dma source(%dma_start3A_423 : memref<8x64xi32, #tpu.memory_space<hbm>>) target(%arg10 : memref<8x64xi32, #tpu.memory_space<vmem>>) target_semaphore(%arg23 : memref<!tpu.dma_semaphore, #tpu.memory_space<semaphore_mem>>)
      } else {
      }
    }
    %scan3A_60 = arith.constant 10 : i32
    %barrier3A_61 = arith.constant 0 : index
    tpu.barrier barrier_id(%barrier3A_61)
    %mul3A_62 = arith.constant 640 : i32
    %mul3A_63 = arith.muli %arg1, %mul3A_62 : i32
    %mul3A_64 = arith.constant 640 : i32
    %mul3A_65 = arith.muli %arg1, %mul3A_64 : i32
    "tpu.region"() ({
      %run_scoped3A = tpu.sem_alloc : memref<!tpu.dma_semaphore, #tpu.memory_space<semaphore_mem>>
      %dma_start3A_66 = arith.constant 0 : i32
      %dma_start3A_67 = tpu.memref_slice %arg6[%arg0, %mul3A_65, %dma_start3A_66] : memref<2x10240x128xf32, #tpu.memory_space<hbm>> -> memref<1x640x128xf32, #tpu.memory_space<hbm>>
      %dma_start3A_68 = tpu.memref_squeeze %dma_start3A_67 : memref<1x640x128xf32, #tpu.memory_space<hbm>> -> memref<640x128xf32, #tpu.memory_space<hbm>>
      %dma_start3A_69 = arith.constant 0 : i32
      %dma_start3A_70 = tpu.memref_slice %arg15[%mul3A_63, %dma_start3A_69] : memref<10240x128xf32, #tpu.memory_space<vmem_shared>> -> memref<640x128xf32, #tpu.memory_space<vmem_shared>>
      tpu.enqueue_dma source(%dma_start3A_70 : memref<640x128xf32, #tpu.memory_space<vmem_shared>>) target(%dma_start3A_68 : memref<640x128xf32, #tpu.memory_space<hbm>>) target_semaphore(%run_scoped3A : memref<!tpu.dma_semaphore, #tpu.memory_space<semaphore_mem>>)
      %dma_wait3A = arith.constant 0 : i32
      %dma_wait3A_71 = tpu.memref_slice %arg6[%arg0, %mul3A_65, %dma_wait3A] : memref<2x10240x128xf32, #tpu.memory_space<hbm>> -> memref<1x640x128xf32, #tpu.memory_space<hbm>>
      %dma_wait3A_72 = tpu.memref_squeeze %dma_wait3A_71 : memref<1x640x128xf32, #tpu.memory_space<hbm>> -> memref<640x128xf32, #tpu.memory_space<hbm>>
      %dma_wait3A_73 = arith.constant 0 : i32
      %dma_wait3A_74 = tpu.memref_slice %arg15[%mul3A_63, %dma_wait3A_73] : memref<10240x128xf32, #tpu.memory_space<vmem_shared>> -> memref<640x128xf32, #tpu.memory_space<vmem_shared>>
      tpu.wait_dma2 semaphore(%run_scoped3A : memref<!tpu.dma_semaphore, #tpu.memory_space<semaphore_mem>>) src(%dma_wait3A_74 : memref<640x128xf32, #tpu.memory_space<vmem_shared>>) dst(%dma_wait3A_72 : memref<640x128xf32, #tpu.memory_space<hbm>>)
      tpu.yield
    }) : () -> ()
    return
  }
}

module attributes {stable_mosaic.version = 14 : i64} {
  func.func @_h2_body(%arg0: i32, %arg1: memref<1024x128xf32, #tpu.memory_space<vmem>>, %arg2: memref<128x128xf32, #tpu.memory_space<vmem>>, %arg3: memref<2x1024xf32, #tpu.memory_space<vmem>>, %arg4: memref<1024x128xf32, #tpu.memory_space<vmem>>) attributes {dimension_semantics = [#tpu.dimension_semantics<arbitrary>], iteration_bounds = array<i64: 10>, scalar_prefetch = 0 : i64, scratch_operands = 0 : i64, tpu.core_type = #tpu.core_type<tc>, window_params = [{transform_indices = @transform_0, window_bounds = array<i64: 1024, 128>}, {pipeline_mode = #tpu.pipeline_mode<synchronous>, transform_indices = @transform_1, window_bounds = array<i64: 128, 128>}, {transform_indices = @transform_2, window_bounds = array<i64: 2, 1024>}, {transform_indices = @transform_3, window_bounds = array<i64: 1024, 128>}]} {
    %get3A = arith.constant 0 : index
    %get3A_0 = arith.constant 0 : index
    %get3A_1 = vector.load %arg3[%get3A, %get3A_0] : memref<2x1024xf32, #tpu.memory_space<vmem>>, vector<1x1024xf32>
    %get3A_2 = vector.shape_cast %get3A_1 : vector<1x1024xf32> to vector<1024xf32>
    %get3A_3 = arith.constant 1 : index
    %get3A_4 = arith.constant 0 : index
    %get3A_5 = vector.load %arg3[%get3A_3, %get3A_4] : memref<2x1024xf32, #tpu.memory_space<vmem>>, vector<1x1024xf32>
    %get3A_6 = vector.shape_cast %get3A_5 : vector<1x1024xf32> to vector<1024xf32>
    %add3A = arith.addf %get3A_2, %get3A_6 : vector<1024xf32>
    %add3A_7 = arith.constant 1.000000e+00 : f32
    %add3A_8 = vector.broadcast %add3A_7 : f32 to vector<1024xf32>
    %add3A_9 = arith.addf %add3A, %add3A_8 : vector<1024xf32>
    %rsqrt3A = math.rsqrt %add3A_9 : vector<1024xf32>
    %get3A_10 = arith.constant 0 : index
    %get3A_11 = arith.constant 0 : index
    %get3A_12 = vector.load %arg1[%get3A_10, %get3A_11] : memref<1024x128xf32, #tpu.memory_space<vmem>>, vector<1024x128xf32>
    %get3A_13 = arith.constant 0 : index
    %get3A_14 = arith.constant 0 : index
    %get3A_15 = vector.load %arg2[%get3A_13, %get3A_14] : memref<128x128xf32, #tpu.memory_space<vmem>>, vector<128x128xf32>
    %dot_general3A = arith.constant dense<0.000000e+00> : vector<1024x128xf32>
    %dot_general3A_16 = tpu.matmul %get3A_12, %get3A_15, %dot_general3A {dimension_numbers = #tpu.dot_dimension_numbers<[1], [0], [0], [1], [0, 0, 1, 1], [], []>, transpose_lhs_hint = false} : vector<1024x128xf32>, vector<128x128xf32>, vector<1024x128xf32> -> vector<1024x128xf32>
    %broadcast_in_dim3A = vector.shape_cast %rsqrt3A : vector<1024xf32> to vector<1024x1xf32>
    %mul3A = vector.broadcast %broadcast_in_dim3A : vector<1024x1xf32> to vector<1024x128xf32>
    %mul3A_17 = arith.mulf %dot_general3A_16, %mul3A : vector<1024x128xf32>
    %swap3A = arith.constant 0 : index
    %swap3A_18 = arith.constant 0 : index
    %swap3A_19 = vector.load %arg4[%swap3A, %swap3A_18] : memref<1024x128xf32, #tpu.memory_space<vmem>>, vector<1024x128xf32>
    tpu.vector_store %arg4[%swap3A, %swap3A_18], %mul3A_17 {strides = array<i32>} : memref<1024x128xf32, #tpu.memory_space<vmem>>, vector<1024x128xf32>,
    return
  }
  func.func @transform_0(%arg0: i32) -> (i32, i32) {
    %c0_i32 = arith.constant 0 : i32
    %c0_i32_0 = arith.constant 0 : i32
    return %arg0, %c0_i32 : i32, i32
  }
  func.func @transform_1(%arg0: i32) -> (i32, i32) {
    %c0_i32 = arith.constant 0 : i32
    %c0_i32_0 = arith.constant 0 : i32
    %c0_i32_1 = arith.constant 0 : i32
    return %c0_i32, %c0_i32_0 : i32, i32
  }
  func.func @transform_2(%arg0: i32) -> (i32, i32) {
    %c0_i32 = arith.constant 0 : i32
    %c0_i32_0 = arith.constant 0 : i32
    return %c0_i32, %arg0 : i32, i32
  }
  func.func @transform_3(%arg0: i32) -> (i32, i32) {
    %c0_i32 = arith.constant 0 : i32
    %c0_i32_0 = arith.constant 0 : i32
    return %arg0, %c0_i32 : i32, i32
  }
}

module attributes {stable_mosaic.version = 14 : i64} {
  func.func @_out_body(%arg0: i32, %arg1: memref<2x1024x128xf32, #tpu.memory_space<vmem>>, %arg2: memref<1024x128xf32, #tpu.memory_space<vmem>>, %arg3: memref<2x1024xf32, #tpu.memory_space<vmem>>, %arg4: memref<1x128xf32, #tpu.memory_space<vmem>>, %arg5: memref<1x128xf32, #tpu.memory_space<vmem>>, %arg6: memref<1x128xf32, #tpu.memory_space<vmem>>, %arg7: memref<1024x128xf32, #tpu.memory_space<vmem>>) attributes {dimension_semantics = [#tpu.dimension_semantics<arbitrary>], iteration_bounds = array<i64: 10>, scalar_prefetch = 0 : i64, scratch_operands = 0 : i64, tpu.core_type = #tpu.core_type<tc>, window_params = [{transform_indices = @transform_0, window_bounds = array<i64: 2, 1024, 128>}, {transform_indices = @transform_1, window_bounds = array<i64: 1024, 128>}, {transform_indices = @transform_2, window_bounds = array<i64: 2, 1024>}, {pipeline_mode = #tpu.pipeline_mode<synchronous>, transform_indices = @transform_3, window_bounds = array<i64: 1, 128>}, {pipeline_mode = #tpu.pipeline_mode<synchronous>, transform_indices = @transform_4, window_bounds = array<i64: 1, 128>}, {pipeline_mode = #tpu.pipeline_mode<synchronous>, transform_indices = @transform_5, window_bounds = array<i64: 1, 128>}, {transform_indices = @transform_6, window_bounds = array<i64: 1024, 128>}]} {
    %get3A = arith.constant 0 : index
    %get3A_0 = arith.constant 0 : index
    %get3A_1 = vector.load %arg3[%get3A, %get3A_0] : memref<2x1024xf32, #tpu.memory_space<vmem>>, vector<1x1024xf32>
    %get3A_2 = vector.shape_cast %get3A_1 : vector<1x1024xf32> to vector<1024xf32>
    %get3A_3 = arith.constant 1 : index
    %get3A_4 = arith.constant 0 : index
    %get3A_5 = vector.load %arg3[%get3A_3, %get3A_4] : memref<2x1024xf32, #tpu.memory_space<vmem>>, vector<1x1024xf32>
    %get3A_6 = vector.shape_cast %get3A_5 : vector<1x1024xf32> to vector<1024xf32>
    %add3A = arith.addf %get3A_2, %get3A_6 : vector<1024xf32>
    %add3A_7 = arith.constant 1.000000e+00 : f32
    %add3A_8 = vector.broadcast %add3A_7 : f32 to vector<1024xf32>
    %add3A_9 = arith.addf %add3A, %add3A_8 : vector<1024xf32>
    %rsqrt3A = math.rsqrt %add3A_9 : vector<1024xf32>
    %get3A_10 = arith.constant 0 : index
    %get3A_11 = arith.constant 0 : index
    %get3A_12 = arith.constant 0 : index
    %get3A_13 = vector.load %arg1[%get3A_10, %get3A_11, %get3A_12] : memref<2x1024x128xf32, #tpu.memory_space<vmem>>, vector<1x1024x128xf32>
    %get3A_14 = vector.shape_cast %get3A_13 : vector<1x1024x128xf32> to vector<1024x128xf32>
    %get3A_15 = arith.constant 1 : index
    %get3A_16 = arith.constant 0 : index
    %get3A_17 = arith.constant 0 : index
    %get3A_18 = vector.load %arg1[%get3A_15, %get3A_16, %get3A_17] : memref<2x1024x128xf32, #tpu.memory_space<vmem>>, vector<1x1024x128xf32>
    %get3A_19 = vector.shape_cast %get3A_18 : vector<1x1024x128xf32> to vector<1024x128xf32>
    %add3A_20 = arith.addf %get3A_14, %get3A_19 : vector<1024x128xf32>
    %get3A_21 = arith.constant 0 : index
    %get3A_22 = arith.constant 0 : index
    %get3A_23 = vector.load %arg2[%get3A_21, %get3A_22] : memref<1024x128xf32, #tpu.memory_space<vmem>>, vector<1024x128xf32>
    %add3A_24 = arith.addf %add3A_20, %get3A_23 : vector<1024x128xf32>
    %broadcast_in_dim3A = vector.shape_cast %rsqrt3A : vector<1024xf32> to vector<1024x1xf32>
    %mul3A = vector.broadcast %broadcast_in_dim3A : vector<1024x1xf32> to vector<1024x128xf32>
    %mul3A_25 = arith.mulf %add3A_24, %mul3A : vector<1024x128xf32>
    %get3A_26 = arith.constant 0 : index
    %get3A_27 = arith.constant 0 : index
    %get3A_28 = vector.load %arg4[%get3A_26, %get3A_27] : memref<1x128xf32, #tpu.memory_space<vmem>>, vector<1x128xf32>
    %add3A_29 = vector.broadcast %get3A_28 : vector<1x128xf32> to vector<1024x128xf32>
    %add3A_30 = arith.addf %mul3A_25, %add3A_29 : vector<1024x128xf32>
    %reduce_sum3A = arith.constant dense<0.000000e+00> : vector<1024xf32>
    %reduce_sum3A_31 = vector.multi_reduction <add>, %add3A_30, %reduce_sum3A [1] : vector<1024x128xf32> to vector<1024xf32>
    %broadcast_in_dim3A_32 = vector.shape_cast %reduce_sum3A_31 : vector<1024xf32> to vector<1024x1xf32>
    %div3A = arith.constant 1.280000e+02 : f32
    %div3A_33 = vector.broadcast %div3A : f32 to vector<1024x1xf32>
    %div3A_34 = arith.divf %broadcast_in_dim3A_32, %div3A_33 : vector<1024x1xf32>
    %sub3A = vector.broadcast %div3A_34 : vector<1024x1xf32> to vector<1024x128xf32>
    %sub3A_35 = arith.subf %add3A_30, %sub3A : vector<1024x128xf32>
    %mul3A_36 = arith.mulf %sub3A_35, %sub3A_35 : vector<1024x128xf32>
    %reduce_sum3A_37 = arith.constant dense<0.000000e+00> : vector<1024xf32>
    %reduce_sum3A_38 = vector.multi_reduction <add>, %mul3A_36, %reduce_sum3A_37 [1] : vector<1024x128xf32> to vector<1024xf32>
    %broadcast_in_dim3A_39 = vector.shape_cast %reduce_sum3A_38 : vector<1024xf32> to vector<1024x1xf32>
    %div3A_40 = arith.constant 1.280000e+02 : f32
    %div3A_41 = vector.broadcast %div3A_40 : f32 to vector<1024x1xf32>
    %div3A_42 = arith.divf %broadcast_in_dim3A_39, %div3A_41 : vector<1024x1xf32>
    %get3A_43 = arith.constant 0 : index
    %get3A_44 = arith.constant 0 : index
    %get3A_45 = vector.load %arg5[%get3A_43, %get3A_44] : memref<1x128xf32, #tpu.memory_space<vmem>>, vector<1x128xf32>
    %mul3A_46 = vector.broadcast %get3A_45 : vector<1x128xf32> to vector<1024x128xf32>
    %mul3A_47 = arith.mulf %mul3A_46, %sub3A_35 : vector<1024x128xf32>
    %add3A_48 = arith.constant 9.99999974E-6 : f32
    %add3A_49 = vector.broadcast %add3A_48 : f32 to vector<1024x1xf32>
    %add3A_50 = arith.addf %div3A_42, %add3A_49 : vector<1024x1xf32>
    %rsqrt3A_51 = math.rsqrt %add3A_50 : vector<1024x1xf32>
    %mul3A_52 = vector.broadcast %rsqrt3A_51 : vector<1024x1xf32> to vector<1024x128xf32>
    %mul3A_53 = arith.mulf %mul3A_47, %mul3A_52 : vector<1024x128xf32>
    %get3A_54 = arith.constant 0 : index
    %get3A_55 = arith.constant 0 : index
    %get3A_56 = vector.load %arg6[%get3A_54, %get3A_55] : memref<1x128xf32, #tpu.memory_space<vmem>>, vector<1x128xf32>
    %add3A_57 = vector.broadcast %get3A_56 : vector<1x128xf32> to vector<1024x128xf32>
    %add3A_58 = arith.addf %mul3A_53, %add3A_57 : vector<1024x128xf32>
    %max3A = arith.constant 0.000000e+00 : f32
    %max3A_59 = vector.broadcast %max3A : f32 to vector<1024x128xf32>
    %max3A_60 = arith.maximumf %add3A_58, %max3A_59 : vector<1024x128xf32>
    %swap3A = arith.constant 0 : index
    %swap3A_61 = arith.constant 0 : index
    %swap3A_62 = vector.load %arg7[%swap3A, %swap3A_61] : memref<1024x128xf32, #tpu.memory_space<vmem>>, vector<1024x128xf32>
    tpu.vector_store %arg7[%swap3A, %swap3A_61], %max3A_60 {strides = array<i32>} : memref<1024x128xf32, #tpu.memory_space<vmem>>, vector<1024x128xf32>,
    return
  }
  func.func @transform_0(%arg0: i32) -> (i32, i32, i32) {
    %c0_i32 = arith.constant 0 : i32
    %c0_i32_0 = arith.constant 0 : i32
    %c0_i32_1 = arith.constant 0 : i32
    return %c0_i32, %arg0, %c0_i32_0 : i32, i32, i32
  }
  func.func @transform_1(%arg0: i32) -> (i32, i32) {
    %c0_i32 = arith.constant 0 : i32
    %c0_i32_0 = arith.constant 0 : i32
    return %arg0, %c0_i32 : i32, i32
  }
  func.func @transform_2(%arg0: i32) -> (i32, i32) {
    %c0_i32 = arith.constant 0 : i32
    %c0_i32_0 = arith.constant 0 : i32
    return %c0_i32, %arg0 : i32, i32
  }
  func.func @transform_3(%arg0: i32) -> (i32, i32) {
    %c0_i32 = arith.constant 0 : i32
    %c0_i32_0 = arith.constant 0 : i32
    %c0_i32_1 = arith.constant 0 : i32
    return %c0_i32, %c0_i32_0 : i32, i32
  }
  func.func @transform_4(%arg0: i32) -> (i32, i32) {
    %c0_i32 = arith.constant 0 : i32
    %c0_i32_0 = arith.constant 0 : i32
    %c0_i32_1 = arith.constant 0 : i32
    return %c0_i32, %c0_i32_0 : i32, i32
  }
  func.func @transform_5(%arg0: i32) -> (i32, i32) {
    %c0_i32 = arith.constant 0 : i32
    %c0_i32_0 = arith.constant 0 : i32
    %c0_i32_1 = arith.constant 0 : i32
    return %c0_i32, %c0_i32_0 : i32, i32
  }
  func.func @transform_6(%arg0: i32) -> (i32, i32) {
    %c0_i32 = arith.constant 0 : i32
    %c0_i32_0 = arith.constant 0 : i32
    return %arg0, %c0_i32 : i32, i32
  }
}

</mosaic_0001>

<sc_bundles>
// kernel: kernel.6.cloned.1.call-start
scs
__scs_entry_jumppad:
0x0: {  	(pc) =	sbr.rel $0x88, $3  }
0x1: {  	(tag) =	ssettag $0x0;
	lr =	simm.s32 $0x1  }
0x2: {  	[smem:$0x3F9B] =	sst lr;
	_ =	strace $0xD0000000  }
0x3: {  	_ = 	snop  }
0x4: {  	_ = 	snop  }
0x5: {  	_ = 	snop  }
0x6: {  	_ = 	snop  }
0x7: {  	_ = 	snop  }
__scs_overlays_trampoline_lowered:
0x8: {  	[smem:$0x3FAA] =	sst s0  }
0x9: {  	[smem:$0x3FAB] =	sst s1  }
0xa: {  	[smem:$0x3FAC] =	sst s2  }
0xb: {  	[smem:$0x3FAD] =	sst s3  }
0xc: {  	[smem:$0x3FAE] =	sst s4  }
0xd: {  	[smem:$0x3FAF] =	sst s5  }
0xe: {  	[smem:$0x3FB0] =	sst s6  }
0xf: {  	[smem:$0x3FB1] =	sst s7  }
0x10: {  	[smem:$0x3FB2] =	sst s8  }
0x11: {  	[smem:$0x3FB3] =	sst s9;
	s0 =	simm.s32 @!p0 $0x0  }
0x12: {  	s1 =	sld [smem:$0x3F99];
	s0 =	simm.s32 @p0 $0x1  }
0x13: {  	[smem:$0x3FB4] =	sst s0;
	s0 =	simm.s32 @!p1 $0x0  }
0x14: {  	s2 =	sld [smem:$0x3F98];
	s0 =	simm.s32 @p1 $0x1  }
0x15: {  	[smem:$0x3FB5] =	sst s0;
	s0 =	simm.s32 @!p2 $0x0  }
0x16: {  	s3 =	sld [smem:$0x3FDB];
	s0 =	simm.s32 @p2 $0x1  }
0x17: {  	s4 =	simm.s32 $0x1BF5;
	[smem:$0x3FB7] =	sst s0  }
0x18: {  	s0 =	sld [smem:$0x3F9A];
	_ =	swait.ge [sflag:s4], $0x0  }
0x19: {  	s7 =	sld [smem:$0x3F9B]  }
0x1a: {  	s8 =	sadd.s32 $0xFFFFE003, lr  }
0x1b: {  	s9 =	sadd.s32 $0xFFFFFEF7, lr;
	s5 =	simm.s32 $0xFFFFFFFF;
	p2 =	slt.u32 s8, $0xFFFFF086  }
0x1c: {  	p1 =	slt.u32 s9, $0xF7A;
	s5 =	simm.s32 @!p2 $0x0  }
0x1d: {  	s5 =	simm.s32 @p1 $0x1;
	p0 =	seq.s32 s7, s2  }
0x1e: {  	s7 =	smul.u32 @!p0 $0xF7A, s2;
	p2 =	seq.s32 @!p0 s5, $0x0  }
0x1f: {  	s9 =	smul.u32 $0xF7A, s1;
	s8 =	simm.s32 @!p0 $0x1BF5;
	p2 =	por !p2, p0  }
0x20: {  	[sflag:s8] =	ssyncset.s32 @!p0 $0xFFFFF086;
	s6 =	sadd.s32 @!p0 s3, s7;
	s7 =	simm.s32 @!p0 $0x108  }
0x21: {  	s3 =	sadd.s32 s3, s9;
	s6 =	sadd.s32 @!p0 $0x88, s6;
	s7 =	simm.s32 @p2 $0x1082  }
0x22: {  	[simem:s7], [sflag:s8] =	dma.local @!p0 [hbm:s6], $0xF7A  }
0x23: {  	s9 =	sor.u32 $0xD0000000, s2;
	s6 =	simm.s32 $0x108;
	_ =	swait.ge @!p0 [sflag:s8], $0x0  }
0x24: {  	s3 =	sadd.s32 $0x88, s3;
	s6 =	simm.s32 @!p1 $0x1082;
	[sflag:s4] =	ssyncset.s32 $0xFFFFF086  }
0x25: {  	[simem:s6], [sflag:s4] =	dma.local [hbm:s3], $0xF7A  }
0x26: {  	[smem:$0x3F9B] =	sst s1;
	(tag) =	ssettag s2;
	_ =	strace s9  }
0x27: {  	s1 =	sld [smem:$0x3FAB]  }
0x28: {  	s2 =	sld [smem:$0x3FAC]  }
0x29: {  	s4 =	sld [smem:$0x3FAE]  }
0x2a: {  	p0 =	seq.s32 s5, $0x0;
	s5 =	sld [smem:$0x3FAF]  }
0x2b: {  	s6 =	sld [smem:$0x3FB0]  }
0x2c: {  	s7 =	sld [smem:$0x3FB1]  }
0x2d: {  	s3 =	simm.s32 $0x108;
	s8 =	sld [smem:$0x3FB2]  }
0x2e: {  	s3 =	simm.s32 @!p0 $0x1082;
	s9 =	sld [smem:$0x3FB3]  }
0x2f: {  	lr =	sadd.s32 s0, s3;
	s0 =	sld [smem:$0x3FAA]  }
0x30: {  	s3 =	sld [smem:$0x3FAD]  }
0x31: {  	[smem:$0x3FB6] =	sst s10  }
0x32: {  	s10 =	sld [smem:$0x3FB4];
	_ =	sdelay $0x3  }
0x33: {  	p0 =	seq.s32 s10, $0x1;
	s10 =	sld [smem:$0x3FB6];
	_ =	sdelay $0x3  }
0x34: {  	[smem:$0x3FB6] =	sst s10  }
0x35: {  	s10 =	sld [smem:$0x3FB5];
	_ =	sdelay $0x3  }
0x36: {  	p1 =	seq.s32 s10, $0x1;
	s10 =	sld [smem:$0x3FB6];
	_ =	sdelay $0x3  }
0x37: {  	[smem:$0x3FB6] =	sst s10  }
0x38: {  	s10 =	sld [smem:$0x3FB7]  }
0x39: {  	_ = 	snop;
	(pc) =	sbr.ind lr, $3  }
0x3a: {  	_ = 	snop  }
0x3b: {  	_ = 	snop  }
0x3c: {  	p2 =	seq.s32 s10, $0x1;
	s10 =	sld [smem:$0x3FB6]  }
0x3d: {  	_ =	shalt  }
0x3e: {  	_ =	shalt  }
0x3f: {  	_ =	shalt  }
0x40: {  	_ =	shalt  }
0x41: {  	_ =	shalt  }
0x42: {  	_ =	shalt  }
0x43: {  	_ =	shalt  }
0x44: {  	_ =	shalt  }
0x45: {  	_ =	shalt  }
0x46: {  	_ =	shalt  }
0x47: {  	_ =	shalt  }
0x48: {  	_ =	shalt  }
0x49: {  	_ =	shalt  }
0x4a: {  	_ =	shalt  }
0x4b: {  	_ =	shalt  }
0x4c: {  	_ =	shalt  }
0x4d: {  	_ =	shalt  }
0x4e: {  	_ =	shalt  }
0x4f: {  	_ =	shalt  }
0x50: {  	_ =	shalt  }
0x51: {  	_ =	shalt  }
0x52: {  	_ =	shalt  }
0x53: {  	_ =	shalt  }
0x54: {  	_ =	shalt  }
0x55: {  	_ =	shalt  }
0x56: {  	_ =	shalt  }
0x57: {  	_ =	shalt  }
0x58: {  	_ =	shalt  }
0x59: {  	_ =	shalt  }
0x5a: {  	_ =	shalt  }
0x5b: {  	_ =	shalt  }
0x5c: {  	_ =	shalt  }
0x5d: {  	_ =	shalt  }
0x5e: {  	_ =	shalt  }
0x5f: {  	_ =	shalt  }
0x60: {  	_ =	shalt  }
0x61: {  	_ =	shalt  }
0x62: {  	_ =	shalt  }
0x63: {  	_ =	shalt  }
0x64: {  	_ =	shalt  }
0x65: {  	_ =	shalt  }
0x66: {  	_ =	shalt  }
0x67: {  	_ =	shalt  }
0x68: {  	_ =	shalt  }
0x69: {  	_ =	shalt  }
0x6a: {  	_ =	shalt  }
0x6b: {  	_ =	shalt  }
0x6c: {  	_ =	shalt  }
0x6d: {  	_ =	shalt  }
0x6e: {  	_ =	shalt  }
0x6f: {  	_ =	shalt  }
0x70: {  	_ =	shalt  }
0x71: {  	_ =	shalt  }
0x72: {  	_ =	shalt  }
0x73: {  	_ =	shalt  }
0x74: {  	_ =	shalt  }
0x75: {  	_ =	shalt  }
0x76: {  	_ =	shalt  }
0x77: {  	_ =	shalt  }
0x78: {  	_ =	shalt  }
0x79: {  	_ =	shalt  }
0x7a: {  	_ =	shalt  }
0x7b: {  	_ =	shalt  }
0x7c: {  	_ =	shalt  }
0x7d: {  	_ =	shalt  }
0x7e: {  	_ =	shalt  }
0x7f: {  	_ =	shalt  }
0x80: {  	_ =	shalt  }
0x81: {  	_ =	shalt  }
0x82: {  	_ =	shalt  }
0x83: {  	_ =	shalt  }
0x84: {  	_ =	shalt  }
0x85: {  	_ =	shalt  }
0x86: {  	_ =	shalt  }
0x87: {  	_ =	shalt  }
.Lfunc_end0:
.L_simem_size_0:
called_computation_lowered:
.L_overlay_start_0:
0x88: {  	s2 =	sld [smem:$0x3FD9]  }
0x89: {  	s3 =	sld [smem:$0x3FFE];
	_ =	sdelay $0x1  }
0x8a: {  	s1 =	srdreg.scid  }
0x8b: {  	s0 =	sand.u32 $0x1, s1  }
0x8c: {  	s17 =	sshll.u32 s0, $0xA;
	s2 =	sadd.s32 s3, s2  }
0x8d: {  	s2 =	sadd.s32 s2, s17  }
0x8e: {  	[smem:$0x3FC2] =	sst s2  }
0x8f: {  	_ = 	snop  }
0x90: {  	s2 =	sld [smem:$0x3FD0];
	(tm) =	ssettm $0x1  }
0x91: {  	s18 =	sld [smem:$0x3FFB];
	_ =	sdelay $0x3  }
0x92: {  	_ =	strace s18  }
0x93: {  	s3 =	sld [smem:$0x3FFC];
	_ =	sdelay $0x3  }
0x94: {  	_ =	strace s3  }
0x95: {  	s3 =	sld [smem:$0x3FFD];
	_ =	sdelay $0x3  }
0x96: {  	_ =	strace s3  }
0x97: {  	_ =	strace $0x8FFFFFFF  }
0x98: {  	s19 =	sld [smem:$0x3FDB];
	_ =	sdelay $0x1  }
0x99: {  	s4 =	simm.s32 $_scs_section_size  }
0x9a: {  	s5 =	simm.s32 $_size__tile_overlayer_lowered;
	s6 =	simm.s32 $_tile_overlayer_lowered  }
0x9b: {  	s22 =	simm.s32 $0x1BFF;
	s21 =	sshll.u32 s6, $0x1;
	s3 =	sadd.s32 s4, s19  }
0x9c: {  	s7 =	simm.s32 $0x0;
	s20 =	sshll.u32 s5, $0x1;
	s5 =	sadd.s32 s21, s3  }
0x9d: {  	[timem:s7], [sflag:s22] =	dma.local [hbm:s5], s20  }
0x9e: {  	_ =	swait.ge [sflag:s22], s20  }
0x9f: {  	s4 =	ssub.s32 $0x0, s20;
	[sflag:s22] =	ssyncset.done $0x0  }
0xa0: {  	[sflag:s22] =	ssyncadd.s32 s4;
	_ =	sdelay $0x1  }
0xa1: {  	s23 =	simm.s32 $0x1B8B  }
0xa2: {  	_ =	swait.ge [sflag:s23], $0x1  }
0xa3: {  	[sflag:s23] =	ssyncset.done $0x0  }
0xa4: {  	s25 =	simm.s32 $0x1B8E;
	s24 =	sld [smem:$0x3FFE];
	[sflag:s23] =	ssyncadd.s32 $0xFFFFFFFF  }
0xa5: {  	s26 =	simm.s32 $execute0_lowered;
	[smem:$0x3FD2] =	sst s25  }
0xa6: {  	s5 =	sshll.u32 s26, $0x1;
	_ =	strace $0x80000046;
	[dreg:$0x1] =	wrdreg $0xFFFFFFFF  }
0xa7: {  	s28 =	simm.s32 $_size_execute0_lowered;
	s3 =	sadd.s32 s3, s5;
	[dreg:$0x0] =	wrdreg $0x0  }
0xa8: {  	s5 =	sshll.u32 s28, $0x1;
	[dreg:$0x2] =	wrdreg s3  }
0xa9: {  	[dreg:$0x3] =	wrdreg s5  }
0xaa: {  	[dreg:$0x4] =	wrdreg $0xC0  }
0xab: {  	_ =	task [dreg:s7], $0x5FFFF  }
0xac: {  	[dreg:$0x1] =	wrdreg $0xFFFFFFFF  }
0xad: {  	[dreg:$0x0] =	wrdreg $0x60  }
0xae: {  	[dreg:$0x2] =	wrdreg s24  }
0xaf: {  	[dreg:$0x3] =	wrdreg s2  }
0xb0: {  	[dreg:$0x4] =	wrdreg $0x50800  }
0xb1: {  	[dreg:$0x5] =	wrdreg $0x9  }
0xb2: {  	_ =	task.clear_ibuf [dreg:s7], $0x6FFFF;
	_ =	strace $0x90000046  }
0xb3: {  	s29 =	simm.s32 $0x9;
	_ =	strace $0x80000048  }
0xb4: {  	_ =	swait.ge [sflag:s29], $0x1  }
0xb5: {  	[sflag:s29] =	ssyncadd.s32 $0xFFFFFFFF  }
0xb6: {  	_ =	strace $0x90000048  }
0xb7: {  	_ =	sfence  }
0xb8: {  	s30 =	sld [smem:$0x0];
	_ =	sdelay $0x2  }
0xb9: {  	s31 =	sshll.u32 s1, $0xD;
	s1 =	sshrl.u32 s1, $0x2  }
0xba: {  	s3 =	sand.u32 $0x4000, s31;
	s1 =	sadd.s32 s1, s30  }
0xbb: {  	s0 =	sor.u32 s3, s0;
	s1 =	sshll.u32 s1, $0x11  }
0xbc: {  	s0 =	sor.u32 s1, s0  }
0xbd: {  	s0 =	sadd.s32 $0x8F2B, s0  }
0xbe: {  	[sflag:s0] =	ssyncadd.remote.s32 $0x1  }
0xbf: {  	_ =	sfence.sel $0xFFFF  }
0xc0: {  	[dreg:$0x0] =	wrdreg $0xFFFFFFFF;
	(pc) =	sbr.abs _section_cstart, $3  }
0xc1: {  	[dreg:$0x1] =	wrdreg $0xFFFFFFFF  }
0xc2: {  	_ =	task.clear_ibuf [dreg:s7], $0x2FFFF;
	_ =	strace $0x9FFFFFFF  }
0xc3: {  	(tm) =	ssettm $0x7FFFFFFF  }
tec
execute0_lowered:
.L_overlay_start_1:
0x0: {  	(tag) =	ssettag $0x1  }
0x1: {  	s5 =	rddreg [dreg:$0x0];
	s1 =	srdreg.scid  }
0x2: {  	s0 =	stileid.u32;
	s7 =	rddreg [dreg:$0x1]  }
0x3: {  	s2 =	rddreg [dreg:$0x2];
	s3 =	simm.s32 $0x0;
	s14 =	simm.s32 $0x1  }
0x4: {  	s15 =	simm.s32 $0x20;
	s16 =	simm.s32 $0x10;
	s17 =	simm.s32 $0x0  }
0x5: {  	s6 =	sand.u32 $0x1, s1;
	s1 =	rddreg [dreg:$0x3];
	s8 =	smul.u32 $0x280, s0  }
0x6: {  	s28 =	sshll.u32 s0, $0x1;
	[smem:$0x7FF] =	sst s3;
	s12 =	smul.u32 $0x500, s0  }
0x7: {  	s31 =	sshll.u32 s0, $0x6;
	s4 =	sor.u32 s6, s28;
	_ =	strace $0x80000047  }
0x8: {  	s11 =	ssub.s32 $0x2, s6;
	s6 =	sshll.u32 s6, $0x7;
	s4 =	smul.u32 $0xA00, s4  }
0x9: {  	s10 =	sshrl.u32 s8, $0x3;
	s13 =	sadd.s32 s8, s2;
	s30 =	sor.u32 s6, s12  }
0xa: {  	s29 =	sshrl.u32 s11, $0x1;
	s8 =	sshrl.u32 s30, $0x3;
	s12 =	sshrl.u32 s13, $0x3  }
0xb: {  	s13 =	simm.s32 $0x40;
	s9 =	sadd.s32 s4, s5;
	s4 =	sadd.s32 $0x15A00, s5  }
0xc: {  	s5 =	sadd.s32 s10, s5;
	s10 =	ssub.s32 s11, s29;
	s7 =	sadd.s32 s7, s8  }
0xd: {  	s11 =	sor.u32 $0x1C02, s31;
	s5 =	sadd.s32 $0x15C00, s5;
	s6 =	sadd.s32 $0x1A00, s9  }
0xe: {  	s8 =	smax.u32 s10, $0x1;
	s9 =	simm.s32 $0x5000;
	s10 =	simm.s32 $0x2  }
.LBB2_1:
0xf: {  	[tilespmem:s9], [sflag:$0x2] =	stream.linear.gather [hbm4b:s4+s3], $0x80, $0x38;
	[tilespmem:$0x5300] =	vst v63  }
0x10: {  	_ =	swait.ge [sflag:s10], $0x80  }
0x11: {  	[sflag:s10] =	ssyncset.done $0x0  }
0x12: {  	[sflag:s10] =	ssyncadd.s32 $0xFFFFFF80  }
0x13: {  	[spmem:s12], [sflag:s11] =	dma.local [hbm:s5], $0x50  }
0x14: {  	_ =	swait.ge [sflag:s10], $0x50  }
0x15: {  	[sflag:s10] =	ssyncset.done $0x0  }
0x16: {  	[sflag:s10] =	ssyncadd.s32 $0xFFFFFFB0  }
0x17: {  	[tilespmem:s3], [sflag:$0x2] =	stream.linear.gather [hbm4b:s6+s3], $0x5000, $0x38;
	[tilespmem:$0x5300] =	vst v63  }
0x18: {  	_ =	swait.ge [sflag:s10], $0x5000  }
0x19: {  	[sflag:s10] =	ssyncset.done $0x0  }
0x1a: {  	[sflag:s10] =	ssyncadd.s32 $0xFFFFB000  }
0x1b: {  	s18 =	simm.s32 $0x0;
	[bflag:$0x0] =	sbarrier.arrive $0xFFFF  }
.LBB2_2:
0x1c: {  	p0 =	sne.s32 s18, $0x13E00  }
.Ltmp0:
0x1d: {  	_ = 	snop;
	(pc) =	sbr.rel @p0 .LBB2_2-.Ltmp0, $3  }
0x1e: {  	_ =	sdelay $0x1  }
0x1f: {  	s19 =	sshra.s32 s18, $0x2;
	s18 =	sadd.s32 $0x200, s18  }
0x20: {  	[spmem:s2] =	stream.indirect.scatter.add.f32 [tilespmem:s9], [sflag:$0x1], $0x1, s19, s13, $0xb8;
	[tilespmem:$0x5300] =	vst v63  }
0x21: {  	_ =	swait.ge [sflag:s14], $0x40  }
0x22: {  	s18 =	simm.s32 $0x9F;
	[sflag:s14] =	ssyncset.done $0x0  }
.LBB2_4:
0x23: {  	p0 =	sne.s32 s18, $0x1;
	s18 =	sadd.s32 $0xFFFFFFFF, s18;
	[sflag:s14] =	ssyncadd.s32 $0xFFFFFFC0  }
.Ltmp1:
0x24: {  	(pc) =	sbr.rel @p0 .LBB2_4-.Ltmp1, $3  }
0x25: {  	_ =	sdelay $0x1  }
0x26: {  	_ =	swait.ge [sflag:s14], $0x40  }
0x27: {  	[sflag:s14] =	ssyncset.done $0x0  }
0x28: {  	s17 =	sadd.s32 $0x1, s17  }
0x29: {  	[sflag:s14] =	ssyncadd.s32 $0xFFFFFFC0;
	p0 =	sne.s32 s17, s8  }
.Ltmp2:
0x2a: {  	[bflag:$0x0] =	sbarrier.arrive $0xFFFF;
	(pc) =	sbr.rel @p0 .LBB2_1-.Ltmp2, $4  }
0x2b: {  	[hbm:s7@s15], [sflag:s11] =	dma.strided [spmem:s12@s16], $0x50, s14, $0x10   }
0x2c: {  	_ =	swait.ge [sflag:s10], $0x50  }
0x2d: {  	[sflag:s10] =	ssyncset.done $0x0  }
0x2e: {  	[sflag:s10] =	ssyncadd.s32 $0xFFFFFFB0  }
0x2f: {  	_ =	sfence.sel $0x180000  }
0x30: {  	[bflag:$0x0] =	sbarrier.arrive $0xFFFF  }
0x31: {  	p0 =	sne.s32 s0, $0x0;
	_ =	strace $0x90000047  }
0x32: {  	s0 =	sadd.s32 @!p0 $0x100000, s1;
	[bflag:$0x2] =	sbarrier.arrive $0xFFFF  }
0x33: {  	[sflag:s0] =	ssyncadd.tile.s32 @!p0 $0x1;
	_ =	shalt  }
.Lfunc_end2:
_tile_overlayer_lowered:
.L_overlay_start_2:
0x34: {  	(tag) =	ssettag $0x2  }
0x35: {  	s0 =	rddreg [dreg:$0x0];
	s2 =	stileid.u32  }
0x36: {  	s1 =	rddreg [dreg:$0x1];
	p0 =	sne.s32 s2, $0x0  }
0x37: {  	s3 =	rddreg [dreg:$0x2];
	[bflag:$0x3] =	sbarrier.arrive $0xFFFF;
	s2 =	simm.s32 @!p0 $0x1C02  }
0x38: {  	[timem:s3], [sflag:s2] =	dma.local @!p0 [hbm:s0], s1  }
0x39: {  	s0 =	simm.s32 @!p0 $0x2  }
0x3a: {  	_ =	swait.ge @!p0 [sflag:s0], s1  }
0x3b: {  	s1 =	ssub.s32 @!p0 $0x0, s1;
	[sflag:s0] =	ssyncset.done @!p0 $0x0  }
0x3c: {  	[sflag:s0] =	ssyncadd.s32 @!p0 s1  }
0x3d: {  	[bflag:$0x3] =	sbarrier.arrive $0xFFFF  }
0x3e: {  	_ =	shalt  }

// kernel: kernel.9.cloned.1.call-start
scs
__scs_entry_jumppad:
0x0: {  	(pc) =	sbr.rel $0x88, $3  }
0x1: {  	(tag) =	ssettag $0x0;
	lr =	simm.s32 $0x1  }
0x2: {  	[smem:$0x3F9B] =	sst lr;
	_ =	strace $0xD0000000  }
0x3: {  	_ = 	snop  }
0x4: {  	_ = 	snop  }
0x5: {  	_ = 	snop  }
0x6: {  	_ = 	snop  }
0x7: {  	_ = 	snop  }
__scs_overlays_trampoline_lowered:
0x8: {  	[smem:$0x3FAA] =	sst s0  }
0x9: {  	[smem:$0x3FAB] =	sst s1  }
0xa: {  	[smem:$0x3FAC] =	sst s2  }
0xb: {  	[smem:$0x3FAD] =	sst s3  }
0xc: {  	[smem:$0x3FAE] =	sst s4  }
0xd: {  	[smem:$0x3FAF] =	sst s5  }
0xe: {  	[smem:$0x3FB0] =	sst s6  }
0xf: {  	[smem:$0x3FB1] =	sst s7  }
0x10: {  	[smem:$0x3FB2] =	sst s8  }
0x11: {  	[smem:$0x3FB3] =	sst s9;
	s0 =	simm.s32 @!p0 $0x0  }
0x12: {  	s1 =	sld [smem:$0x3F99];
	s0 =	simm.s32 @p0 $0x1  }
0x13: {  	[smem:$0x3FB4] =	sst s0;
	s0 =	simm.s32 @!p1 $0x0  }
0x14: {  	s2 =	sld [smem:$0x3F98];
	s0 =	simm.s32 @p1 $0x1  }
0x15: {  	[smem:$0x3FB5] =	sst s0;
	s0 =	simm.s32 @!p2 $0x0  }
0x16: {  	s3 =	sld [smem:$0x3FDB];
	s0 =	simm.s32 @p2 $0x1  }
0x17: {  	s4 =	simm.s32 $0x1BF5;
	[smem:$0x3FB7] =	sst s0  }
0x18: {  	s0 =	sld [smem:$0x3F9A];
	_ =	swait.ge [sflag:s4], $0x0  }
0x19: {  	s7 =	sld [smem:$0x3F9B]  }
0x1a: {  	s8 =	sadd.s32 $0xFFFFE003, lr  }
0x1b: {  	s9 =	sadd.s32 $0xFFFFFEF7, lr;
	s5 =	simm.s32 $0xFFFFFFFF;
	p2 =	slt.u32 s8, $0xFFFFF086  }
0x1c: {  	p1 =	slt.u32 s9, $0xF7A;
	s5 =	simm.s32 @!p2 $0x0  }
0x1d: {  	s5 =	simm.s32 @p1 $0x1;
	p0 =	seq.s32 s7, s2  }
0x1e: {  	s7 =	smul.u32 @!p0 $0xF7A, s2;
	p2 =	seq.s32 @!p0 s5, $0x0  }
0x1f: {  	s9 =	smul.u32 $0xF7A, s1;
	s8 =	simm.s32 @!p0 $0x1BF5;
	p2 =	por !p2, p0  }
0x20: {  	[sflag:s8] =	ssyncset.s32 @!p0 $0xFFFFF086;
	s6 =	sadd.s32 @!p0 s3, s7;
	s7 =	simm.s32 @!p0 $0x108  }
0x21: {  	s3 =	sadd.s32 s3, s9;
	s6 =	sadd.s32 @!p0 $0x88, s6;
	s7 =	simm.s32 @p2 $0x1082  }
0x22: {  	[simem:s7], [sflag:s8] =	dma.local @!p0 [hbm:s6], $0xF7A  }
0x23: {  	s9 =	sor.u32 $0xD0000000, s2;
	s6 =	simm.s32 $0x108;
	_ =	swait.ge @!p0 [sflag:s8], $0x0  }
0x24: {  	s3 =	sadd.s32 $0x88, s3;
	s6 =	simm.s32 @!p1 $0x1082;
	[sflag:s4] =	ssyncset.s32 $0xFFFFF086  }
0x25: {  	[simem:s6], [sflag:s4] =	dma.local [hbm:s3], $0xF7A  }
0x26: {  	[smem:$0x3F9B] =	sst s1;
	(tag) =	ssettag s2;
	_ =	strace s9  }
0x27: {  	s1 =	sld [smem:$0x3FAB]  }
0x28: {  	s2 =	sld [smem:$0x3FAC]  }
0x29: {  	s4 =	sld [smem:$0x3FAE]  }
0x2a: {  	p0 =	seq.s32 s5, $0x0;
	s5 =	sld [smem:$0x3FAF]  }
0x2b: {  	s6 =	sld [smem:$0x3FB0]  }
0x2c: {  	s7 =	sld [smem:$0x3FB1]  }
0x2d: {  	s3 =	simm.s32 $0x108;
	s8 =	sld [smem:$0x3FB2]  }
0x2e: {  	s3 =	simm.s32 @!p0 $0x1082;
	s9 =	sld [smem:$0x3FB3]  }
0x2f: {  	lr =	sadd.s32 s0, s3;
	s0 =	sld [smem:$0x3FAA]  }
0x30: {  	s3 =	sld [smem:$0x3FAD]  }
0x31: {  	[smem:$0x3FB6] =	sst s10  }
0x32: {  	s10 =	sld [smem:$0x3FB4];
	_ =	sdelay $0x3  }
0x33: {  	p0 =	seq.s32 s10, $0x1;
	s10 =	sld [smem:$0x3FB6];
	_ =	sdelay $0x3  }
0x34: {  	[smem:$0x3FB6] =	sst s10  }
0x35: {  	s10 =	sld [smem:$0x3FB5];
	_ =	sdelay $0x3  }
0x36: {  	p1 =	seq.s32 s10, $0x1;
	s10 =	sld [smem:$0x3FB6];
	_ =	sdelay $0x3  }
0x37: {  	[smem:$0x3FB6] =	sst s10  }
0x38: {  	s10 =	sld [smem:$0x3FB7]  }
0x39: {  	_ = 	snop;
	(pc) =	sbr.ind lr, $3  }
0x3a: {  	_ = 	snop  }
0x3b: {  	_ = 	snop  }
0x3c: {  	p2 =	seq.s32 s10, $0x1;
	s10 =	sld [smem:$0x3FB6]  }
0x3d: {  	_ =	shalt  }
0x3e: {  	_ =	shalt  }
0x3f: {  	_ =	shalt  }
0x40: {  	_ =	shalt  }
0x41: {  	_ =	shalt  }
0x42: {  	_ =	shalt  }
0x43: {  	_ =	shalt  }
0x44: {  	_ =	shalt  }
0x45: {  	_ =	shalt  }
0x46: {  	_ =	shalt  }
0x47: {  	_ =	shalt  }
0x48: {  	_ =	shalt  }
0x49: {  	_ =	shalt  }
0x4a: {  	_ =	shalt  }
0x4b: {  	_ =	shalt  }
0x4c: {  	_ =	shalt  }
0x4d: {  	_ =	shalt  }
0x4e: {  	_ =	shalt  }
0x4f: {  	_ =	shalt  }
0x50: {  	_ =	shalt  }
0x51: {  	_ =	shalt  }
0x52: {  	_ =	shalt  }
0x53: {  	_ =	shalt  }
0x54: {  	_ =	shalt  }
0x55: {  	_ =	shalt  }
0x56: {  	_ =	shalt  }
0x57: {  	_ =	shalt  }
0x58: {  	_ =	shalt  }
0x59: {  	_ =	shalt  }
0x5a: {  	_ =	shalt  }
0x5b: {  	_ =	shalt  }
0x5c: {  	_ =	shalt  }
0x5d: {  	_ =	shalt  }
0x5e: {  	_ =	shalt  }
0x5f: {  	_ =	shalt  }
0x60: {  	_ =	shalt  }
0x61: {  	_ =	shalt  }
0x62: {  	_ =	shalt  }
0x63: {  	_ =	shalt  }
0x64: {  	_ =	shalt  }
0x65: {  	_ =	shalt  }
0x66: {  	_ =	shalt  }
0x67: {  	_ =	shalt  }
0x68: {  	_ =	shalt  }
0x69: {  	_ =	shalt  }
0x6a: {  	_ =	shalt  }
0x6b: {  	_ =	shalt  }
0x6c: {  	_ =	shalt  }
0x6d: {  	_ =	shalt  }
0x6e: {  	_ =	shalt  }
0x6f: {  	_ =	shalt  }
0x70: {  	_ =	shalt  }
0x71: {  	_ =	shalt  }
0x72: {  	_ =	shalt  }
0x73: {  	_ =	shalt  }
0x74: {  	_ =	shalt  }
0x75: {  	_ =	shalt  }
0x76: {  	_ =	shalt  }
0x77: {  	_ =	shalt  }
0x78: {  	_ =	shalt  }
0x79: {  	_ =	shalt  }
0x7a: {  	_ =	shalt  }
0x7b: {  	_ =	shalt  }
0x7c: {  	_ =	shalt  }
0x7d: {  	_ =	shalt  }
0x7e: {  	_ =	shalt  }
0x7f: {  	_ =	shalt  }
0x80: {  	_ =	shalt  }
0x81: {  	_ =	shalt  }
0x82: {  	_ =	shalt  }
0x83: {  	_ =	shalt  }
0x84: {  	_ =	shalt  }
0x85: {  	_ =	shalt  }
0x86: {  	_ =	shalt  }
0x87: {  	_ =	shalt  }
.Lfunc_end0:
.L_simem_size_0:
called_computation.1_lowered:
.L_overlay_start_0:
0x88: {  	s2 =	sld [smem:$0x3FD9]  }
0x89: {  	s3 =	sld [smem:$0x3FFE];
	_ =	sdelay $0x1  }
0x8a: {  	s1 =	srdreg.scid  }
0x8b: {  	s0 =	sand.u32 $0x1, s1  }
0x8c: {  	s17 =	sshll.u32 s0, $0xA;
	s2 =	sadd.s32 s3, s2  }
0x8d: {  	s2 =	sadd.s32 s2, s17  }
0x8e: {  	[smem:$0x3FC2] =	sst s2  }
0x8f: {  	_ = 	snop  }
0x90: {  	s2 =	sld [smem:$0x3FD0];
	(tm) =	ssettm $0x1  }
0x91: {  	s18 =	sld [smem:$0x3FFB];
	_ =	sdelay $0x3  }
0x92: {  	_ =	strace s18  }
0x93: {  	s3 =	sld [smem:$0x3FFC];
	_ =	sdelay $0x3  }
0x94: {  	_ =	strace s3  }
0x95: {  	s3 =	sld [smem:$0x3FFD];
	_ =	sdelay $0x3  }
0x96: {  	_ =	strace s3  }
0x97: {  	_ =	strace $0x8FFFFFFF  }
0x98: {  	s19 =	sld [smem:$0x3FDB];
	_ =	sdelay $0x1  }
0x99: {  	s4 =	simm.s32 $_scs_section_size  }
0x9a: {  	s5 =	simm.s32 $_size__tile_overlayer_lowered;
	s6 =	simm.s32 $_tile_overlayer_lowered  }
0x9b: {  	s22 =	simm.s32 $0x1BFF;
	s21 =	sshll.u32 s6, $0x1;
	s3 =	sadd.s32 s4, s19  }
0x9c: {  	s7 =	simm.s32 $0x0;
	s20 =	sshll.u32 s5, $0x1;
	s5 =	sadd.s32 s21, s3  }
0x9d: {  	[timem:s7], [sflag:s22] =	dma.local [hbm:s5], s20  }
0x9e: {  	_ =	swait.ge [sflag:s22], s20  }
0x9f: {  	s4 =	ssub.s32 $0x0, s20;
	[sflag:s22] =	ssyncset.done $0x0  }
0xa0: {  	[sflag:s22] =	ssyncadd.s32 s4;
	_ =	sdelay $0x1  }
0xa1: {  	s23 =	simm.s32 $0x1B8B  }
0xa2: {  	_ =	swait.ge [sflag:s23], $0x1  }
0xa3: {  	[sflag:s23] =	ssyncset.done $0x0  }
0xa4: {  	s25 =	simm.s32 $0x1B8E;
	s24 =	sld [smem:$0x3FFE];
	[sflag:s23] =	ssyncadd.s32 $0xFFFFFFFF  }
0xa5: {  	s26 =	simm.s32 $execute0_lowered;
	[smem:$0x3FD2] =	sst s25  }
0xa6: {  	s5 =	sshll.u32 s26, $0x1;
	_ =	strace $0x80000049;
	[dreg:$0x1] =	wrdreg $0xFFFFFFFF  }
0xa7: {  	s28 =	simm.s32 $_size_execute0_lowered;
	s3 =	sadd.s32 s3, s5;
	[dreg:$0x0] =	wrdreg $0x0  }
0xa8: {  	s5 =	sshll.u32 s28, $0x1;
	[dreg:$0x2] =	wrdreg s3  }
0xa9: {  	[dreg:$0x3] =	wrdreg s5  }
0xaa: {  	[dreg:$0x4] =	wrdreg $0xC0  }
0xab: {  	_ =	task [dreg:s7], $0x5FFFF  }
0xac: {  	[dreg:$0x1] =	wrdreg $0xFFFFFFFF  }
0xad: {  	[dreg:$0x0] =	wrdreg $0x60  }
0xae: {  	[dreg:$0x2] =	wrdreg s2  }
0xaf: {  	[dreg:$0x3] =	wrdreg s24  }
0xb0: {  	[dreg:$0x4] =	wrdreg $0x90000  }
0xb1: {  	[dreg:$0x5] =	wrdreg $0x9  }
0xb2: {  	_ =	task.clear_ibuf [dreg:s7], $0x6FFFF;
	_ =	strace $0x90000049  }
0xb3: {  	s29 =	simm.s32 $0x9;
	_ =	strace $0x8000004B  }
0xb4: {  	_ =	swait.ge [sflag:s29], $0x1  }
0xb5: {  	[sflag:s29] =	ssyncadd.s32 $0xFFFFFFFF  }
0xb6: {  	_ =	strace $0x9000004B  }
0xb7: {  	_ =	sfence  }
0xb8: {  	s30 =	sld [smem:$0x0];
	_ =	sdelay $0x2  }
0xb9: {  	s31 =	sshll.u32 s1, $0xD;
	s1 =	sshrl.u32 s1, $0x2  }
0xba: {  	s3 =	sand.u32 $0x4000, s31;
	s1 =	sadd.s32 s1, s30  }
0xbb: {  	s0 =	sor.u32 s3, s0;
	s1 =	sshll.u32 s1, $0x11  }
0xbc: {  	s0 =	sor.u32 s1, s0  }
0xbd: {  	s0 =	sadd.s32 $0x8F2B, s0  }
0xbe: {  	[sflag:s0] =	ssyncadd.remote.s32 $0x1  }
0xbf: {  	_ =	sfence.sel $0xFFFF  }
0xc0: {  	[dreg:$0x0] =	wrdreg $0xFFFFFFFF;
	(pc) =	sbr.abs _section_cstart, $3  }
0xc1: {  	[dreg:$0x1] =	wrdreg $0xFFFFFFFF  }
0xc2: {  	_ =	task.clear_ibuf [dreg:s7], $0x2FFFF;
	_ =	strace $0x9FFFFFFF  }
0xc3: {  	(tm) =	ssettm $0x7FFFFFFF  }
tec
execute0_lowered:
.L_overlay_start_1:
0x0: {  	(tag) =	ssettag $0x1  }
0x1: {  	s2 =	rddreg [dreg:$0x0]  }
0x2: {  	s0 =	rddreg [dreg:$0x1]  }
0x3: {  	s3 =	rddreg [dreg:$0x2]  }
0x4: {  	s12 =	stileid.u32;
	s1 =	srdreg.scid  }
0x5: {  	s4 =	simm.s32 $0x0;
	s18 =	simm.s32 $0x9;
	s19 =	simm.s32 $0x400  }
0x6: {  	s28 =	simm.s32 $0x5000;
	s30 =	simm.s32 $0x7000;
	s31 =	simm.s32 $0x7  }
0x7: {  	s5 =	smul.u32 $0x14000, s12;
	s1 =	sand.u32 $0x1, s1;
	[smem:$0x7FF] =	sst s4  }
0x8: {  	s7 =	sadd.s32 $0x16200, s0;
	s9 =	sadd.s32 $0x1A00, s0;
	s20 =	smul.u32 $0x50000, s12  }
0x9: {  	s10 =	sshll.u32 s12, $0x1;
	s22 =	smul.u32 $0xA000, s12;
	s12 =	sshll.u32 s12, $0x6  }
0xa: {  	s6 =	smul.u32 $0x140000, s1;
	_ =	strace $0x8000004A;
	s21 =	ssub.s32 $0x2, s1  }
0xb: {  	s10 =	sor.u32 s1, s10;
	s1 =	smul.u32 $0x5000, s1;
	s17 =	sor.u32 $0x1C09, s12  }
0xc: {  	s12 =	simm.s32 $0xF80;
	s8 =	sshrl.u32 s5, $0x3;
	s11 =	sshrl.u32 s21, $0x1  }
0xd: {  	s10 =	smul.u32 $0x5000, s10;
	[dreg:$0x5] =	wrdreg s17;
	s8 =	sadd.s32 s8, s0  }
0xe: {  	s5 =	sadd.s32 s5, s6;
	s6 =	sshrl.u32 s20, $0x2;
	s1 =	sadd.s32 s1, s22  }
0xf: {  	s22 =	simm.s32 $0x40;
	s20 =	simm.s32 $0x0;
	s5 =	sshrl.u32 s5, $0x3  }
0x10: {  	s6 =	sadd.s32 s6, s3;
	s10 =	sshrl.u32 s10, $0x3;
	s8 =	sadd.s32 $0x2A200, s8  }
0x11: {  	s26 =	sor.u32 $0xC00, s1;
	s1 =	sor.u32 $0x800, s1;
	s0 =	sadd.s32 s5, s0  }
0x12: {  	s5 =	ssub.s32 s21, s11;
	[dreg:$0x4] =	wrdreg s8;
	s23 =	sor.u32 $0x80, s10  }
0x13: {  	s24 =	sadd.s32 s7, s10;
	s10 =	sadd.s32 s9, s10;
	s29 =	sshrl.u32 s26, $0x3  }
0x14: {  	s1 =	sshrl.u32 s1, $0x3;
	s6 =	sshrl.u32 s6, $0x3;
	s21 =	simm.s32 $0xC00  }
0x15: {  	s11 =	simm.s32 $0x4;
	s26 =	simm.s32 $0x6;
	[dreg:$0x6] =	wrdreg s24  }
0x16: {  	s25 =	sadd.s32 s7, s23;
	[dreg:$0x8] =	wrdreg s10;
	s8 =	sadd.s32 s9, s23  }
0x17: {  	s0 =	sadd.s32 $0x52200, s0;
	s5 =	smax.u32 s5, $0x1;
	s13 =	sadd.s32 s29, s9  }
0x18: {  	s14 =	sadd.s32 s29, s7;
	s15 =	sadd.s32 s1, s9;
	[dreg:$0xc] =	wrdreg s6  }
.Ltmp0:
0x19: {  	s16 =	sadd.s32 s1, s7;
	[dreg:$0x7] =	wrdreg s25;
	(pc) =	sbr.rel .LBB2_1-.Ltmp0, $4  }
0x1a: {  	s23 =	simm.s32 $0x1000;
	s24 =	simm.s32 $0x2;
	[dreg:$0x9] =	wrdreg s8  }
0x1b: {  	s10 =	simm.s32 $0x8;
	s7 =	simm.s32 $0xE00;
	[dreg:$0xa] =	wrdreg s0  }
0x1c: {  	s9 =	simm.s32 $0xF00;
	[dreg:$0xb] =	wrdreg s5;
	s25 =	simm.s32 $0x3000  }
0x1d: {  	s0 =	simm.s32 $0x1;
	s8 =	simm.s32 $0x3;
	s5 =	simm.s32 $0x780  }
.LBB2_4:
0x1e: {  	_ =	swait.ge [sflag:s11], $0x2000  }
0x1f: {  	[sflag:s11] =	ssyncset.done $0x0  }
0x20: {  	[sflag:s11] =	ssyncadd.s32 $0xFFFFE000  }
0x21: {  	[spmem:s3] =	stream.indirect.scatter.add.f32 [tilespmem:s30], [sflag:$0x9], $0x80, s12, s22, $0xb8;
	[tilespmem:$0x1D000] =	vst v63  }
0x22: {  	_ =	swait.ge [sflag:s18], $0x2000  }
0x23: {  	[sflag:s18] =	ssyncset.done $0x0  }
0x24: {  	[sflag:s18] =	ssyncadd.s32 $0xFFFFE000  }
0x25: {  	[bflag:$0x0] =	sbarrier.arrive $0xFFFF  }
0x26: {  	s17 =	rddreg [dreg:$0x5]  }
0x27: {  	s1 =	rddreg [dreg:$0xa]  }
0x28: {  	s6 =	rddreg [dreg:$0xc]  }
0x29: {  	[hbm:s1], [sflag:s17] =	dma.local [spmem:s6], $0x2800  }
0x2a: {  	_ =	swait.ge [sflag:s18], $0x2800  }
0x2b: {  	s20 =	rddreg [dreg:$0xd]  }
0x2c: {  	s29 =	rddreg [dreg:$0xb];
	s20 =	sadd.s32 $0x1, s20  }
0x2d: {  	p0 =	sne.s32 s20, s29  }
.Ltmp1:
0x2e: {  	_ = 	snop;
	(pc) =	sbr.rel @!p0 .LBB2_5-.Ltmp1, $3  }
0x2f: {  	_ =	sdelay $0x1  }
0x30: {  	[sflag:s18] =	ssyncset.done $0x0  }
0x31: {  	[sflag:s18] =	ssyncadd.s32 $0xFFFFD800  }
.LBB2_1:
0x32: {  	[dreg:$0xd] =	wrdreg s20  }
0x33: {  	s1 =	rddreg [dreg:$0x4]  }
0x34: {  	[spmem:s6], [sflag:s17] =	dma.local [hbm:s1], $0x2800  }
0x35: {  	_ =	swait.ge [sflag:s18], $0x2800  }
0x36: {  	[sflag:s18] =	ssyncset.done $0x0  }
0x37: {  	[sflag:s18] =	ssyncadd.s32 $0xFFFFD800  }
0x38: {  	[bflag:$0x0] =	sbarrier.arrive $0xFFFF  }
0x39: {  	s6 =	rddreg [dreg:$0x6]  }
0x3a: {  	[tilespmem:s4], [sflag:$0x9] =	stream.linear.gather [hbm4b:s6+s4], $0x400, $0x38;
	[tilespmem:$0x1D000] =	vst v63  }
0x3b: {  	_ =	swait.ge [sflag:s18], $0x400  }
0x3c: {  	[sflag:s18] =	ssyncset.done $0x0  }
0x3d: {  	s17 =	rddreg [dreg:$0x7];
	[sflag:s18] =	ssyncadd.s32 $0xFFFFFC00  }
0x3e: {  	[tilespmem:s19], [sflag:$0x6] =	stream.linear.gather [hbm4b:s17+s4], $0x400, $0x38;
	[tilespmem:$0x1D000] =	vst v63  }
0x3f: {  	s29 =	simm.s32 $0x800;
	s20 =	rddreg [dreg:$0x8]  }
0x40: {  	[tilespmem:s29], [sflag:$0x7] =	stream.linear.gather [hbm4b:s20+s4], $0x400, $0x38;
	[tilespmem:$0x1D000] =	vst v63  }
0x41: {  	s6 =	rddreg [dreg:$0x9]  }
0x42: {  	[tilespmem:s21], [sflag:$0x8] =	stream.linear.gather [hbm4b:s6+s4], $0x400, $0x38;
	[tilespmem:$0x1D000] =	vst v63  }
0x43: {  	_ = 	snop  }
0x44: {  	[tilespmem:s23], [sflag:$0x1] =	stream.indirect.gather [hbm4b:s2+s22], $0x80, s4, s22, $0xb8;
	[tilespmem:$0x1D000] =	vst v63  }
0x45: {  	s17 =	simm.s32 $0x80  }
0x46: {  	[tilespmem:s25], [sflag:$0x2] =	stream.indirect.gather [hbm4b:s2+s22], $0x80, s17, s22, $0xb8;
	[tilespmem:$0x1D000] =	vst v63  }
0x47: {  	s20 =	simm.s32 $0x100  }
0x48: {  	[tilespmem:s28], [sflag:$0x3] =	stream.indirect.gather [hbm4b:s2+s22], $0x80, s20, s22, $0xb8;
	[tilespmem:$0x1D000] =	vst v63  }
0x49: {  	s29 =	simm.s32 $0x180;
	s6 =	simm.s32 $0x0  }
0x4a: {  	[tilespmem:s30], [sflag:$0x4] =	stream.indirect.gather [hbm4b:s2+s22], $0x80, s29, s22, $0xb8;
	[tilespmem:$0x1D000] =	vst v63  }
.LBB2_2:
0x4b: {  	_ =	swait.ge [sflag:s31], $0x400  }
0x4c: {  	[sflag:s31] =	ssyncset.done $0x0  }
0x4d: {  	[sflag:s31] =	ssyncadd.s32 $0xFFFFFC00  }
0x4e: {  	_ =	swait.ge [sflag:s0], $0x2000  }
0x4f: {  	[sflag:s0] =	ssyncset.done $0x0  }
0x50: {  	s1 =	simm.s32 $0x800;
	[sflag:s0] =	ssyncadd.s32 $0xFFFFE000  }
0x51: {  	[spmem:s3] =	stream.indirect.scatter.add.f32 [tilespmem:s23], [sflag:$0x9], $0x80, s1, s22, $0xb8;
	[tilespmem:$0x1D000] =	vst v63  }
0x52: {  	_ =	swait.ge [sflag:s18], $0x2000  }
0x53: {  	[sflag:s18] =	ssyncset.done $0x0  }
0x54: {  	s29 =	simm.s32 $0x200;
	[sflag:s18] =	ssyncadd.s32 $0xFFFFE000  }
0x55: {  	[tilespmem:s23], [sflag:$0x1] =	stream.indirect.gather [hbm4b:s2+s22], $0x80, s29, s22, $0xb8;
	[tilespmem:$0x1D000] =	vst v63  }
0x56: {  	_ =	swait.ge [sflag:s24], $0x2000  }
0x57: {  	[sflag:s24] =	ssyncset.done $0x0  }
0x58: {  	s17 =	simm.s32 $0x880;
	[sflag:s24] =	ssyncadd.s32 $0xFFFFE000  }
0x59: {  	[spmem:s3] =	stream.indirect.scatter.add.f32 [tilespmem:s25], [sflag:$0x9], $0x80, s17, s22, $0xb8;
	[tilespmem:$0x1D000] =	vst v63  }
0x5a: {  	_ =	swait.ge [sflag:s18], $0x2000  }
0x5b: {  	[sflag:s18] =	ssyncset.done $0x0  }
0x5c: {  	s20 =	simm.s32 $0x280;
	[sflag:s18] =	ssyncadd.s32 $0xFFFFE000  }
0x5d: {  	[tilespmem:s25], [sflag:$0x2] =	stream.indirect.gather [hbm4b:s2+s22], $0x80, s20, s22, $0xb8;
	[tilespmem:$0x1D000] =	vst v63  }
0x5e: {  	_ =	swait.ge [sflag:s8], $0x2000  }
0x5f: {  	[sflag:s8] =	ssyncset.done $0x0  }
0x60: {  	s29 =	simm.s32 $0x900;
	[sflag:s8] =	ssyncadd.s32 $0xFFFFE000  }
0x61: {  	[spmem:s3] =	stream.indirect.scatter.add.f32 [tilespmem:s28], [sflag:$0x9], $0x80, s29, s22, $0xb8;
	[tilespmem:$0x1D000] =	vst v63  }
0x62: {  	_ =	swait.ge [sflag:s18], $0x2000  }
0x63: {  	[sflag:s18] =	ssyncset.done $0x0  }
0x64: {  	s17 =	simm.s32 $0x300;
	[sflag:s18] =	ssyncadd.s32 $0xFFFFE000  }
0x65: {  	[tilespmem:s28], [sflag:$0x3] =	stream.indirect.gather [hbm4b:s2+s22], $0x80, s17, s22, $0xb8;
	[tilespmem:$0x1D000] =	vst v63  }
0x66: {  	_ =	swait.ge [sflag:s11], $0x2000  }
0x67: {  	[sflag:s11] =	ssyncset.done $0x0  }
0x68: {  	s20 =	simm.s32 $0x980;
	[sflag:s11] =	ssyncadd.s32 $0xFFFFE000  }
0x69: {  	[spmem:s3] =	stream.indirect.scatter.add.f32 [tilespmem:s30], [sflag:$0x9], $0x80, s20, s22, $0xb8;
	[tilespmem:$0x1D000] =	vst v63  }
0x6a: {  	_ =	swait.ge [sflag:s18], $0x2000  }
0x6b: {  	[sflag:s18] =	ssyncset.done $0x0  }
0x6c: {  	s29 =	simm.s32 $0x380;
	[sflag:s18] =	ssyncadd.s32 $0xFFFFE000  }
0x6d: {  	[tilespmem:s30], [sflag:$0x4] =	stream.indirect.gather [hbm4b:s2+s22], $0x80, s29, s22, $0xb8;
	[tilespmem:$0x1D000] =	vst v63  }
0x6e: {  	_ =	swait.ge [sflag:s0], $0x2000  }
0x6f: {  	[sflag:s0] =	ssyncset.done $0x0  }
0x70: {  	s17 =	simm.s32 $0xA00;
	[sflag:s0] =	ssyncadd.s32 $0xFFFFE000  }
0x71: {  	[spmem:s3] =	stream.indirect.scatter.add.f32 [tilespmem:s23], [sflag:$0x9], $0x80, s17, s22, $0xb8;
	[tilespmem:$0x1D000] =	vst v63  }
0x72: {  	_ =	swait.ge [sflag:s18], $0x2000  }
0x73: {  	[sflag:s18] =	ssyncset.done $0x0  }
0x74: {  	[sflag:s18] =	ssyncadd.s32 $0xFFFFE000  }
0x75: {  	_ =	swait.ge [sflag:s26], $0x400  }
0x76: {  	[sflag:s26] =	ssyncset.done $0x0  }
0x77: {  	[sflag:s26] =	ssyncadd.s32 $0xFFFFFC00  }
0x78: {  	[tilespmem:s23], [sflag:$0x1] =	stream.indirect.gather [hbm4b:s2+s22], $0x80, s19, s22, $0xb8;
	[tilespmem:$0x1D000] =	vst v63  }
0x79: {  	_ =	swait.ge [sflag:s24], $0x2000  }
0x7a: {  	[sflag:s24] =	ssyncset.done $0x0  }
0x7b: {  	s20 =	simm.s32 $0xA80;
	[sflag:s24] =	ssyncadd.s32 $0xFFFFE000  }
0x7c: {  	[spmem:s3] =	stream.indirect.scatter.add.f32 [tilespmem:s25], [sflag:$0x9], $0x80, s20, s22, $0xb8;
	[tilespmem:$0x1D000] =	vst v63  }
0x7d: {  	_ =	swait.ge [sflag:s18], $0x2000  }
0x7e: {  	[sflag:s18] =	ssyncset.done $0x0  }
0x7f: {  	s29 =	simm.s32 $0x480;
	[sflag:s18] =	ssyncadd.s32 $0xFFFFE000  }
0x80: {  	[tilespmem:s25], [sflag:$0x2] =	stream.indirect.gather [hbm4b:s2+s22], $0x80, s29, s22, $0xb8;
	[tilespmem:$0x1D000] =	vst v63  }
0x81: {  	_ =	swait.ge [sflag:s8], $0x2000  }
0x82: {  	[sflag:s8] =	ssyncset.done $0x0  }
0x83: {  	s17 =	simm.s32 $0xB00;
	[sflag:s8] =	ssyncadd.s32 $0xFFFFE000  }
0x84: {  	[spmem:s3] =	stream.indirect.scatter.add.f32 [tilespmem:s28], [sflag:$0x9], $0x80, s17, s22, $0xb8;
	[tilespmem:$0x1D000] =	vst v63  }
0x85: {  	_ =	swait.ge [sflag:s18], $0x2000  }
0x86: {  	[sflag:s18] =	ssyncset.done $0x0  }
0x87: {  	s20 =	simm.s32 $0x500;
	[sflag:s18] =	ssyncadd.s32 $0xFFFFE000  }
0x88: {  	[tilespmem:s28], [sflag:$0x3] =	stream.indirect.gather [hbm4b:s2+s22], $0x80, s20, s22, $0xb8;
	[tilespmem:$0x1D000] =	vst v63  }
0x89: {  	_ =	swait.ge [sflag:s11], $0x2000  }
0x8a: {  	[sflag:s11] =	ssyncset.done $0x0  }
0x8b: {  	s29 =	simm.s32 $0xB80;
	[sflag:s11] =	ssyncadd.s32 $0xFFFFE000  }
0x8c: {  	[spmem:s3] =	stream.indirect.scatter.add.f32 [tilespmem:s30], [sflag:$0x9], $0x80, s29, s22, $0xb8;
	[tilespmem:$0x1D000] =	vst v63  }
0x8d: {  	_ =	swait.ge [sflag:s18], $0x2000  }
0x8e: {  	[sflag:s18] =	ssyncset.done $0x0  }
0x8f: {  	p0 =	seq.s32 s6, $0x900;
	s17 =	simm.s32 $0x580;
	[sflag:s18] =	ssyncadd.s32 $0xFFFFE000  }
0x90: {  	[tilespmem:s30], [sflag:$0x4] =	stream.indirect.gather [hbm4b:s2+s22], $0x80, s17, s22, $0xb8;
	[tilespmem:$0x1D000] =	vst v63  }
0x91: {  	s29 =	sadd.s32 @!p0 s6, s16;
	s17 =	simm.s32 @!p0 $0x0  }
0x92: {  	[tilespmem:s17], [sflag:$0x5] =	stream.linear.gather @!p0 [hbm4b:s29+s17], $0x400, $0x38;
	[tilespmem:$0x1D000] =	vst v63  }
0x93: {  	s20 =	simm.s32 @!p0 $0x800;
	s29 =	sadd.s32 @!p0 s6, s15  }
0x94: {  	[tilespmem:s20], [sflag:$0x7] =	stream.linear.gather @!p0 [hbm4b:s29+s17], $0x400, $0x38;
	[tilespmem:$0x1D000] =	vst v63  }
0x95: {  	_ =	swait.ge [sflag:s10], $0x400  }
0x96: {  	[sflag:s10] =	ssyncset.done $0x0  }
0x97: {  	[sflag:s10] =	ssyncadd.s32 $0xFFFFFC00  }
0x98: {  	_ =	swait.ge [sflag:s0], $0x2000  }
0x99: {  	[sflag:s0] =	ssyncset.done $0x0  }
0x9a: {  	[sflag:s0] =	ssyncadd.s32 $0xFFFFE000  }
0x9b: {  	[spmem:s3] =	stream.indirect.scatter.add.f32 [tilespmem:s23], [sflag:$0x9], $0x80, s21, s22, $0xb8;
	[tilespmem:$0x1D000] =	vst v63  }
0x9c: {  	_ =	swait.ge [sflag:s18], $0x2000  }
0x9d: {  	[sflag:s18] =	ssyncset.done $0x0  }
0x9e: {  	s20 =	simm.s32 $0x600;
	[sflag:s18] =	ssyncadd.s32 $0xFFFFE000  }
0x9f: {  	[tilespmem:s23], [sflag:$0x1] =	stream.indirect.gather [hbm4b:s2+s22], $0x80, s20, s22, $0xb8;
	[tilespmem:$0x1D000] =	vst v63  }
0xa0: {  	_ =	swait.ge [sflag:s24], $0x2000  }
0xa1: {  	[sflag:s24] =	ssyncset.done $0x0  }
0xa2: {  	s29 =	simm.s32 $0xC80;
	[sflag:s24] =	ssyncadd.s32 $0xFFFFE000  }
0xa3: {  	[spmem:s3] =	stream.indirect.scatter.add.f32 [tilespmem:s25], [sflag:$0x9], $0x80, s29, s22, $0xb8;
	[tilespmem:$0x1D000] =	vst v63  }
0xa4: {  	_ =	swait.ge [sflag:s18], $0x2000  }
0xa5: {  	[sflag:s18] =	ssyncset.done $0x0  }
0xa6: {  	s20 =	simm.s32 $0x680;
	[sflag:s18] =	ssyncadd.s32 $0xFFFFE000  }
0xa7: {  	[tilespmem:s25], [sflag:$0x2] =	stream.indirect.gather [hbm4b:s2+s22], $0x80, s20, s22, $0xb8;
	[tilespmem:$0x1D000] =	vst v63  }
0xa8: {  	_ =	swait.ge [sflag:s8], $0x2000  }
0xa9: {  	[sflag:s8] =	ssyncset.done $0x0  }
0xaa: {  	s29 =	simm.s32 $0xD00;
	[sflag:s8] =	ssyncadd.s32 $0xFFFFE000  }
0xab: {  	[spmem:s3] =	stream.indirect.scatter.add.f32 [tilespmem:s28], [sflag:$0x9], $0x80, s29, s22, $0xb8;
	[tilespmem:$0x1D000] =	vst v63  }
0xac: {  	_ =	swait.ge [sflag:s18], $0x2000  }
0xad: {  	[sflag:s18] =	ssyncset.done $0x0  }
0xae: {  	s20 =	simm.s32 $0x700;
	[sflag:s18] =	ssyncadd.s32 $0xFFFFE000  }
0xaf: {  	[tilespmem:s28], [sflag:$0x3] =	stream.indirect.gather [hbm4b:s2+s22], $0x80, s20, s22, $0xb8;
	[tilespmem:$0x1D000] =	vst v63  }
0xb0: {  	_ =	swait.ge [sflag:s11], $0x2000  }
0xb1: {  	[sflag:s11] =	ssyncset.done $0x0  }
0xb2: {  	s29 =	simm.s32 $0xD80;
	[sflag:s11] =	ssyncadd.s32 $0xFFFFE000  }
0xb3: {  	[spmem:s3] =	stream.indirect.scatter.add.f32 [tilespmem:s30], [sflag:$0x9], $0x80, s29, s22, $0xb8;
	[tilespmem:$0x1D000] =	vst v63  }
0xb4: {  	_ =	swait.ge [sflag:s18], $0x2000  }
0xb5: {  	[sflag:s18] =	ssyncset.done $0x0  }
0xb6: {  	[sflag:s18] =	ssyncadd.s32 $0xFFFFE000  }
0xb7: {  	[tilespmem:s30], [sflag:$0x4] =	stream.indirect.gather [hbm4b:s2+s22], $0x80, s5, s22, $0xb8;
	[tilespmem:$0x1D000] =	vst v63  }
0xb8: {  	_ =	swait.ge [sflag:s0], $0x2000  }
0xb9: {  	[sflag:s0] =	ssyncset.done $0x0  }
0xba: {  	[sflag:s0] =	ssyncadd.s32 $0xFFFFE000  }
0xbb: {  	[spmem:s3] =	stream.indirect.scatter.add.f32 [tilespmem:s23], [sflag:$0x9], $0x80, s7, s22, $0xb8;
	[tilespmem:$0x1D000] =	vst v63  }
0xbc: {  	_ =	swait.ge [sflag:s18], $0x2000  }
0xbd: {  	[sflag:s18] =	ssyncset.done $0x0  }
0xbe: {  	s20 =	simm.s32 @p0 $0x2;
	[sflag:s18] =	ssyncadd.s32 $0xFFFFE000  }
0xbf: {  	_ =	swait.ge @p0 [sflag:s20], $0x2000  }
0xc0: {  	s1 =	simm.s32 @p0 $0x3000;
	[sflag:s20] =	ssyncset.done @p0 $0x0  }
0xc1: {  	s29 =	simm.s32 @p0 $0xE80;
	[sflag:s20] =	ssyncadd.s32 @p0 $0xFFFFE000;
	s20 =	simm.s32 @p0 $0x40  }
0xc2: {  	[spmem:s3] =	stream.indirect.scatter.add.f32 @p0 [tilespmem:s1], [sflag:$0x9], $0x80, s29, s20, $0xb8;
	[tilespmem:$0x1D000] =	vst v63  }
0xc3: {  	s1 =	simm.s32 @p0 $0x9  }
0xc4: {  	_ =	swait.ge @p0 [sflag:s1], $0x2000  }
0xc5: {  	[sflag:s1] =	ssyncset.done @p0 $0x0  }
0xc6: {  	[sflag:s1] =	ssyncadd.s32 @p0 $0xFFFFE000;
	s1 =	simm.s32 @!p0 $0x5  }
0xc7: {  	_ =	swait.ge @!p0 [sflag:s1], $0x400  }
0xc8: {  	[sflag:s1] =	ssyncset.done @!p0 $0x0  }
0xc9: {  	s20 =	simm.s32 @!p0 $0x1000;
	[sflag:s1] =	ssyncadd.s32 @!p0 $0xFFFFFC00;
	s1 =	simm.s32 @!p0 $0x40  }
0xca: {  	[tilespmem:s20], [sflag:$0x1] =	stream.indirect.gather @!p0 [hbm4b:s2+s1], $0x80, s17, s1, $0xb8;
	[tilespmem:$0x1D000] =	vst v63  }
0xcb: {  	s17 =	simm.s32 @!p0 $0x2  }
0xcc: {  	_ =	swait.ge @!p0 [sflag:s17], $0x2000  }
0xcd: {  	[sflag:s17] =	ssyncset.done @!p0 $0x0  }
0xce: {  	s20 =	simm.s32 @!p0 $0x3000;
	[sflag:s17] =	ssyncadd.s32 @!p0 $0xFFFFE000;
	s17 =	simm.s32 @!p0 $0xE80  }
0xcf: {  	[spmem:s3] =	stream.indirect.scatter.add.f32 @!p0 [tilespmem:s20], [sflag:$0x9], $0x80, s17, s1, $0xb8;
	[tilespmem:$0x1D000] =	vst v63  }
0xd0: {  	s17 =	simm.s32 @!p0 $0x9  }
0xd1: {  	_ =	swait.ge @!p0 [sflag:s17], $0x2000  }
0xd2: {  	[sflag:s17] =	ssyncset.done @!p0 $0x0  }
0xd3: {  	[sflag:s17] =	ssyncadd.s32 @!p0 $0xFFFFE000;
	s17 =	simm.s32 @!p0 $0x80  }
0xd4: {  	[tilespmem:s20], [sflag:$0x2] =	stream.indirect.gather @!p0 [hbm4b:s2+s1], $0x80, s17, s1, $0xb8;
	[tilespmem:$0x1D000] =	vst v63  }
0xd5: {  	_ =	swait.ge [sflag:s8], $0x2000  }
0xd6: {  	[sflag:s8] =	ssyncset.done $0x0  }
.Ltmp2:
0xd7: {  	[sflag:s8] =	ssyncadd.s32 $0xFFFFE000;
	(pc) =	sbr.rel @p0 .LBB2_4-.Ltmp2, $4  }
0xd8: {  	[spmem:s3] =	stream.indirect.scatter.add.f32 [tilespmem:s28], [sflag:$0x9], $0x80, s9, s22, $0xb8;
	[tilespmem:$0x1D000] =	vst v63  }
0xd9: {  	_ =	swait.ge [sflag:s18], $0x2000  }
0xda: {  	[sflag:s18] =	ssyncset.done $0x0  }
0xdb: {  	[sflag:s18] =	ssyncadd.s32 $0xFFFFE000  }
0xdc: {  	s1 =	simm.s32 $0x100  }
0xdd: {  	[tilespmem:s28], [sflag:$0x3] =	stream.indirect.gather [hbm4b:s2+s22], $0x80, s1, s22, $0xb8;
	[tilespmem:$0x1D000] =	vst v63  }
0xde: {  	_ =	swait.ge [sflag:s11], $0x2000  }
0xdf: {  	[sflag:s11] =	ssyncset.done $0x0  }
0xe0: {  	[sflag:s11] =	ssyncadd.s32 $0xFFFFE000  }
0xe1: {  	[spmem:s3] =	stream.indirect.scatter.add.f32 [tilespmem:s30], [sflag:$0x9], $0x80, s12, s22, $0xb8;
	[tilespmem:$0x1D000] =	vst v63  }
0xe2: {  	_ =	swait.ge [sflag:s18], $0x2000  }
0xe3: {  	[sflag:s18] =	ssyncset.done $0x0  }
0xe4: {  	s17 =	simm.s32 $0x180;
	[sflag:s18] =	ssyncadd.s32 $0xFFFFE000  }
0xe5: {  	[tilespmem:s30], [sflag:$0x4] =	stream.indirect.gather [hbm4b:s2+s22], $0x80, s17, s22, $0xb8;
	[tilespmem:$0x1D000] =	vst v63  }
.Ltmp3:
0xe6: {  	_ = 	snop;
	(pc) =	sbr.rel .LBB2_2-.Ltmp3, $4  }
0xe7: {  	s20 =	sadd.s32 s6, s14  }
0xe8: {  	[tilespmem:s19], [sflag:$0x6] =	stream.linear.gather [hbm4b:s20+s4], $0x400, $0x38;
	[tilespmem:$0x1D000] =	vst v63  }
0xe9: {  	s29 =	sadd.s32 s6, s13;
	s6 =	sadd.s32 $0x100, s6  }
0xea: {  	[tilespmem:s21], [sflag:$0x8] =	stream.linear.gather [hbm4b:s29+s4], $0x400, $0x38;
	[tilespmem:$0x1D000] =	vst v63  }
.LBB2_5:
0xeb: {  	_ =	sfence.sel $0x180000  }
0xec: {  	[bflag:$0x0] =	sbarrier.arrive $0xFFFF  }
0xed: {  	_ =	strace $0x9000004A  }
0xee: {  	s0 =	stileid.u32;
	[bflag:$0x2] =	sbarrier.arrive $0xFFFF  }
0xef: {  	p0 =	sne.s32 s0, $0x0;
	s0 =	rddreg [dreg:$0x3]  }
0xf0: {  	s0 =	sadd.s32 @!p0 $0x100000, s0  }
0xf1: {  	[sflag:s0] =	ssyncadd.tile.s32 @!p0 $0x1;
	_ =	shalt  }
.Lfunc_end2:
_tile_overlayer_lowered:
.L_overlay_start_2:
0xf2: {  	(tag) =	ssettag $0x2  }
0xf3: {  	s0 =	rddreg [dreg:$0x0];
	s2 =	stileid.u32  }
0xf4: {  	s1 =	rddreg [dreg:$0x1];
	p0 =	sne.s32 s2, $0x0  }
0xf5: {  	s3 =	rddreg [dreg:$0x2];
	[bflag:$0x3] =	sbarrier.arrive $0xFFFF;
	s2 =	simm.s32 @!p0 $0x1C09  }
0xf6: {  	[timem:s3], [sflag:s2] =	dma.local @!p0 [hbm:s0], s1  }
0xf7: {  	s0 =	simm.s32 @!p0 $0x9  }
0xf8: {  	_ =	swait.ge @!p0 [sflag:s0], s1  }
0xf9: {  	s1 =	ssub.s32 @!p0 $0x0, s1;
	[sflag:s0] =	ssyncset.done @!p0 $0x0  }
0xfa: {  	[sflag:s0] =	ssyncadd.s32 @!p0 s1  }
0xfb: {  	[bflag:$0x3] =	sbarrier.arrive $0xFFFF  }
0xfc: {  	_ =	shalt  }

</sc_bundles>
